<compile_context>
chip_gen: v7x
topology: tpu7x:2x2x1
jax: 0.10.2.dev20260603
libtpu: 0.0.44.dev20260713+nightly
codegen_flags: <defaults>
</compile_context>

<pallas_src>
import functools

import jax
import jax.numpy as jnp
from jax import lax
from jax.experimental import pallas as pl
from jax.experimental.pallas import tpu as pltpu
from jax.experimental.pallas import tpu_sc as plsc

_B = 1024
_L = 200
_D = 64
_CHUNK = 100
_CPR = _L // _CHUNK
_NC, _NS = 2, 16
_NW = _NC * _NS
_RPW = _B // _NW
_G = 4


@functools.partial(
    pl.kernel,
    out_type=jax.ShapeDtypeStruct((_B, _L, _D), jnp.float32),
    mesh=plsc.VectorSubcoreMesh(core_axis_name="c", subcore_axis_name="s",
                                num_cores=_NC),
    scratch_types=(
        [pltpu.VMEM((_G, _CPR, _CHUNK), jnp.int32),
         pltpu.VMEM((_G, _L, _D), jnp.float32),
         pltpu.VMEM_SHARED((_L, _D), jnp.float32)]
        + [pltpu.SemaphoreType.DMA] * (4 * _G)
    ),
    compiler_params=pltpu.CompilerParams(use_tc_tiling_on_sc=False),
)
def _embed_kernel(ids_hbm, wte_hbm, wpe_hbm, out_hbm, idx_v, rows_v,
                  wpe_sh, *sems):
    idx_sem = sems[0:_G]
    init_sem = sems[_G:2 * _G]
    g_sem = sems[2 * _G:3 * _G]
    out_sem = sems[3 * _G:4 * _G]

    cid = lax.axis_index("c")
    sid = lax.axis_index("s")
    wid = sid * _NC + cid
    base = wid * _RPW

    @pl.when(sid == 0)
    def _stage_wpe():
        pltpu.sync_copy(wpe_hbm.at[pl.ds(0, _L)], rows_v.at[0])
        pltpu.sync_copy(rows_v.at[0], wpe_sh)

    plsc.subcore_barrier()

    @pl.loop(0, _RPW, step=_G)
    def _group(g):
        ins = []
        for r in range(_G):
            row = base + g + r
            d_idx = pltpu.async_copy(ids_hbm.at[row], idx_v.at[r],
                                     idx_sem[r])
            d_init = pltpu.async_copy(wpe_sh, rows_v.at[r], init_sem[r])
            ins.append((d_idx, d_init))

        gathers = []
        for r in range(_G):
            ins[r][0].wait()
            ins[r][1].wait()
            for c in range(_CPR):
                gathers.append(
                    pltpu.async_copy(
                        wte_hbm.at[idx_v.at[r, c]],
                        rows_v.at[r, pl.ds(c * _CHUNK, _CHUNK)],
                        g_sem[r], add=True))

        outs = []
        for r in range(_G):
            for c in range(_CPR):
                gathers[_CPR * r + c].wait()
            outs.append(pltpu.async_copy(rows_v.at[r],
                                         out_hbm.at[base + g + r],
                                         out_sem[r]))

        for d in outs:
            d.wait()


def kernel(input_ids, wte_table, wpe_table):
    ids = input_ids.reshape(_B, _CPR, _CHUNK).astype(jnp.int32)
    return _embed_kernel(ids, wte_table, wpe_table)

# --- scband reference (transcript-rebuilt; emitter-appended) ---
"""Pipeline reference for scband-imeembedding-16647293239318 (READ-ONLY COPY).

The authoritative reference and input builder live on the scoring server;
editing this copy changes nothing except your own understanding.
"""

import jax, jax.numpy as jnp
import numpy as np

VOCAB = 1000000
MAX_POS = 512
DIM = 64
B = 1024
L = 200

def setup_inputs(seed: int = 0) -> dict:
    key = jax.random.key(seed)
    k1, k2, k3 = jax.random.split(key, 3)
    input_ids = jax.random.randint(k1, (B, L), 0, VOCAB, dtype=jnp.int64 if jax.config.jax_enable_x64 else jnp.int32)
    wte_table = jax.random.normal(k2, (VOCAB, DIM), dtype=jnp.float32) * 0.02
    wpe_table = jax.random.normal(k3, (MAX_POS, DIM), dtype=jnp.float32) * 0.02
    return {"input_ids": input_ids, "wte_table": wte_table, "wpe_table": wpe_table}

def reference(input_ids, wte_table, wpe_table):
    # input_ids: [B, L] -> view(-1, L) is identity for 2D input
    input_shape = input_ids.shape
    ids = input_ids.reshape(-1, input_shape[-1])
    position_ids = jnp.arange(0, input_shape[-1], dtype=ids.dtype)[None, :]  # [1, L]
    inputs_embeds = jnp.take(wte_table, ids, axis=0)          # [B, L, D] gather
    position_embeds = jnp.take(wpe_table, position_ids, axis=0)  # [1, L, D] gather
    hidden_states = inputs_embeds + position_embeds
    return hidden_states

if __name__ == "__main__":
    import jax
    _d = setup_inputs()
    print(jax.jit(kernel)(*tuple(_d.values())))

</pallas_src>

<mosaic_0001>
#map = affine_map<(d0, d1) -> (0, 0, 0)>
#map1 = affine_map<(d0, d1) -> (0, 0)>
module attributes {stable_mosaic.version = 14 : i64} {
  func.func @_embed_kernel(%arg0: i32, %arg1: i32, %arg2: memref<1024x2x100xi32, #tpu.memory_space<hbm>>, %arg3: memref<1000000x64xf32, #tpu.memory_space<hbm>>, %arg4: memref<512x64xf32, #tpu.memory_space<hbm>>, %arg5: memref<1024x200x64xf32, #tpu.memory_space<hbm>>, %arg6: memref<4x2x100xi32, #tpu.memory_space<vmem>>, %arg7: memref<4x200x64xf32, #tpu.memory_space<vmem>>, %arg8: memref<200x64xf32, #tpu.memory_space<vmem_shared>>, %arg9: memref<!tpu.dma_semaphore, #tpu.memory_space<semaphore_mem>>, %arg10: memref<!tpu.dma_semaphore, #tpu.memory_space<semaphore_mem>>, %arg11: memref<!tpu.dma_semaphore, #tpu.memory_space<semaphore_mem>>, %arg12: memref<!tpu.dma_semaphore, #tpu.memory_space<semaphore_mem>>, %arg13: memref<!tpu.dma_semaphore, #tpu.memory_space<semaphore_mem>>, %arg14: memref<!tpu.dma_semaphore, #tpu.memory_space<semaphore_mem>>, %arg15: memref<!tpu.dma_semaphore, #tpu.memory_space<semaphore_mem>>, %arg16: memref<!tpu.dma_semaphore, #tpu.memory_space<semaphore_mem>>, %arg17: memref<!tpu.dma_semaphore, #tpu.memory_space<semaphore_mem>>, %arg18: memref<!tpu.dma_semaphore, #tpu.memory_space<semaphore_mem>>, %arg19: memref<!tpu.dma_semaphore, #tpu.memory_space<semaphore_mem>>, %arg20: memref<!tpu.dma_semaphore, #tpu.memory_space<semaphore_mem>>, %arg21: memref<!tpu.dma_semaphore, #tpu.memory_space<semaphore_mem>>, %arg22: memref<!tpu.dma_semaphore, #tpu.memory_space<semaphore_mem>>, %arg23: memref<!tpu.dma_semaphore, #tpu.memory_space<semaphore_mem>>, %arg24: memref<!tpu.dma_semaphore, #tpu.memory_space<semaphore_mem>>) attributes {dimension_semantics = [#tpu.dimension_semantics<core_parallel>, #tpu.dimension_semantics<subcore_parallel>], iteration_bounds = array<i64: 2, 16>, scalar_prefetch = 0 : i64, scratch_operands = 19 : i64, tpu.core_type = #tpu.core_type<sc_vector_subcore>, window_params = [{transform_indices = #map}, {transform_indices = #map1}, {transform_indices = #map1}, {transform_indices = #map}]} {
    %mul3A = arith.constant 2 : i32
    %mul3A_0 = arith.muli %arg1, %mul3A : i32
    %add3A = arith.addi %mul3A_0, %arg0 : i32
    %mul3A_1 = arith.constant 32 : i32
    %mul3A_2 = arith.muli %add3A, %mul3A_1 : i32
    %eq3A = arith.constant 0 : i32
    %eq3A_3 = arith.cmpi eq, %arg1, %eq3A : i32
    %convert_element_type3A = arith.extui %eq3A_3 : i1 to i32
    %cond3A = arith.constant 0 : i32
    %cond3A_4 = arith.cmpi ne, %convert_element_type3A, %cond3A : i32
    scf.if %cond3A_4 {
      %run_scoped3A = arith.constant 0 : i32
      "tpu.region"() ({
        %run_scoped3A_10 = tpu.sem_alloc : memref<!tpu.dma_semaphore, #tpu.memory_space<semaphore_mem>>
        %dma_start3A = arith.constant 0 : i32
        %dma_start3A_11 = arith.constant 0 : i32
        %dma_start3A_12 = tpu.memref_slice %arg7[%run_scoped3A, %dma_start3A, %dma_start3A_11] : memref<4x200x64xf32, #tpu.memory_space<vmem>> -> memref<1x200x64xf32, #tpu.memory_space<vmem>>
        %dma_start3A_13 = tpu.memref_squeeze %dma_start3A_12 : memref<1x200x64xf32, #tpu.memory_space<vmem>> -> memref<200x64xf32, #tpu.memory_space<vmem>>
        %dma_start3A_14 = arith.constant 0 : i32
        %dma_start3A_15 = arith.constant 0 : i32
        %dma_start3A_16 = tpu.memref_slice %arg4[%dma_start3A_14, %dma_start3A_15] : memref<512x64xf32, #tpu.memory_space<hbm>> -> memref<200x64xf32, #tpu.memory_space<hbm>>
        %dma_start3A_17 = arith.constant 0 : i32
        %dma_start3A_18 = arith.constant 0 : i32
        %dma_start3A_19 = tpu.memref_slice %arg7[%run_scoped3A, %dma_start3A_17, %dma_start3A_18] : memref<4x200x64xf32, #tpu.memory_space<vmem>> -> memref<1x200x64xf32, #tpu.memory_space<vmem>>
        %dma_start3A_20 = tpu.memref_squeeze %dma_start3A_19 : memref<1x200x64xf32, #tpu.memory_space<vmem>> -> memref<200x64xf32, #tpu.memory_space<vmem>>
        %dma_start3A_21 = arith.constant 0 : i32
        %dma_start3A_22 = arith.constant 0 : i32
        %dma_start3A_23 = tpu.memref_slice %arg4[%dma_start3A_21, %dma_start3A_22] : memref<512x64xf32, #tpu.memory_space<hbm>> -> memref<200x64xf32, #tpu.memory_space<hbm>>
        tpu.enqueue_dma source(%dma_start3A_23 : memref<200x64xf32, #tpu.memory_space<hbm>>) target(%dma_start3A_20 : memref<200x64xf32, #tpu.memory_space<vmem>>) target_semaphore(%run_scoped3A_10 : memref<!tpu.dma_semaphore, #tpu.memory_space<semaphore_mem>>)
        %dma_wait3A = arith.constant 0 : i32
        %dma_wait3A_24 = arith.constant 0 : i32
        %dma_wait3A_25 = tpu.memref_slice %arg7[%run_scoped3A, %dma_wait3A, %dma_wait3A_24] : memref<4x200x64xf32, #tpu.memory_space<vmem>> -> memref<1x200x64xf32, #tpu.memory_space<vmem>>
        %dma_wait3A_26 = tpu.memref_squeeze %dma_wait3A_25 : memref<1x200x64xf32, #tpu.memory_space<vmem>> -> memref<200x64xf32, #tpu.memory_space<vmem>>
        %dma_wait3A_27 = arith.constant 0 : i32
        %dma_wait3A_28 = arith.constant 0 : i32
        %dma_wait3A_29 = tpu.memref_slice %arg4[%dma_wait3A_27, %dma_wait3A_28] : memref<512x64xf32, #tpu.memory_space<hbm>> -> memref<200x64xf32, #tpu.memory_space<hbm>>
        %dma_wait3A_30 = arith.constant 0 : i32
        %dma_wait3A_31 = arith.constant 0 : i32
        %dma_wait3A_32 = tpu.memref_slice %arg7[%run_scoped3A, %dma_wait3A_30, %dma_wait3A_31] : memref<4x200x64xf32, #tpu.memory_space<vmem>> -> memref<1x200x64xf32, #tpu.memory_space<vmem>>
        %dma_wait3A_33 = tpu.memref_squeeze %dma_wait3A_32 : memref<1x200x64xf32, #tpu.memory_space<vmem>> -> memref<200x64xf32, #tpu.memory_space<vmem>>
        %dma_wait3A_34 = arith.constant 0 : i32
        %dma_wait3A_35 = arith.constant 0 : i32
        %dma_wait3A_36 = tpu.memref_slice %arg4[%dma_wait3A_34, %dma_wait3A_35] : memref<512x64xf32, #tpu.memory_space<hbm>> -> memref<200x64xf32, #tpu.memory_space<hbm>>
        tpu.wait_dma2 semaphore(%run_scoped3A_10 : memref<!tpu.dma_semaphore, #tpu.memory_space<semaphore_mem>>) src(%dma_wait3A_36 : memref<200x64xf32, #tpu.memory_space<hbm>>) dst(%dma_wait3A_33 : memref<200x64xf32, #tpu.memory_space<vmem>>)
        tpu.yield
      }) : () -> ()
      %run_scoped3A_9 = arith.constant 0 : i32
      "tpu.region"() ({
        %run_scoped3A_10 = tpu.sem_alloc : memref<!tpu.dma_semaphore, #tpu.memory_space<semaphore_mem>>
        %dma_start3A = arith.constant 0 : i32
        %dma_start3A_11 = arith.constant 0 : i32
        %dma_start3A_12 = tpu.memref_slice %arg7[%run_scoped3A_9, %dma_start3A, %dma_start3A_11] : memref<4x200x64xf32, #tpu.memory_space<vmem>> -> memref<1x200x64xf32, #tpu.memory_space<vmem>>
        %dma_start3A_13 = tpu.memref_squeeze %dma_start3A_12 : memref<1x200x64xf32, #tpu.memory_space<vmem>> -> memref<200x64xf32, #tpu.memory_space<vmem>>
        %dma_start3A_14 = arith.constant 0 : i32
        %dma_start3A_15 = arith.constant 0 : i32
        %dma_start3A_16 = tpu.memref_slice %arg7[%run_scoped3A_9, %dma_start3A_14, %dma_start3A_15] : memref<4x200x64xf32, #tpu.memory_space<vmem>> -> memref<1x200x64xf32, #tpu.memory_space<vmem>>
        %dma_start3A_17 = tpu.memref_squeeze %dma_start3A_16 : memref<1x200x64xf32, #tpu.memory_space<vmem>> -> memref<200x64xf32, #tpu.memory_space<vmem>>
        tpu.enqueue_dma source(%dma_start3A_17 : memref<200x64xf32, #tpu.memory_space<vmem>>) target(%arg8 : memref<200x64xf32, #tpu.memory_space<vmem_shared>>) target_semaphore(%run_scoped3A_10 : memref<!tpu.dma_semaphore, #tpu.memory_space<semaphore_mem>>)
        %dma_wait3A = arith.constant 0 : i32
        %dma_wait3A_18 = arith.constant 0 : i32
        %dma_wait3A_19 = tpu.memref_slice %arg7[%run_scoped3A_9, %dma_wait3A, %dma_wait3A_18] : memref<4x200x64xf32, #tpu.memory_space<vmem>> -> memref<1x200x64xf32, #tpu.memory_space<vmem>>
        %dma_wait3A_20 = tpu.memref_squeeze %dma_wait3A_19 : memref<1x200x64xf32, #tpu.memory_space<vmem>> -> memref<200x64xf32, #tpu.memory_space<vmem>>
        %dma_wait3A_21 = arith.constant 0 : i32
        %dma_wait3A_22 = arith.constant 0 : i32
        %dma_wait3A_23 = tpu.memref_slice %arg7[%run_scoped3A_9, %dma_wait3A_21, %dma_wait3A_22] : memref<4x200x64xf32, #tpu.memory_space<vmem>> -> memref<1x200x64xf32, #tpu.memory_space<vmem>>
        %dma_wait3A_24 = tpu.memref_squeeze %dma_wait3A_23 : memref<1x200x64xf32, #tpu.memory_space<vmem>> -> memref<200x64xf32, #tpu.memory_space<vmem>>
        tpu.wait_dma2 semaphore(%run_scoped3A_10 : memref<!tpu.dma_semaphore, #tpu.memory_space<semaphore_mem>>) src(%dma_wait3A_24 : memref<200x64xf32, #tpu.memory_space<vmem>>) dst(%arg8 : memref<200x64xf32, #tpu.memory_space<vmem_shared>>)
        tpu.yield
      }) : () -> ()
    } else {
    }
    %barrier3A = arith.constant 0 : index
    tpu.barrier barrier_id(%barrier3A)
    %scan3A = arith.constant 0 : i32
    %scan3A_5 = arith.constant 8 : i32
    %scan3A_6 = arith.addi %scan3A, %scan3A_5 : i32
    %scan3A_7 = arith.constant 1 : i32
    scf.for %scan3A_9 = %scan3A to %scan3A_6 step %scan3A_7  : i32 {
      %mul3A_10 = arith.constant 4 : i32
      %mul3A_11 = arith.muli %scan3A_9, %mul3A_10 : i32
      %add3A_12 = arith.constant 0 : i32
      %add3A_13 = arith.addi %add3A_12, %mul3A_11 : i32
      %add3A_14 = arith.addi %mul3A_2, %add3A_13 : i32
      %add3A_15 = arith.constant 0 : i32
      %add3A_16 = arith.addi %add3A_14, %add3A_15 : i32
      %dma_start3A = arith.constant 0 : i32
      %dma_start3A_17 = arith.constant 0 : i32
      %dma_start3A_18 = arith.constant 0 : i32
      %dma_start3A_19 = tpu.memref_slice %arg6[%dma_start3A, %dma_start3A_17, %dma_start3A_18] : memref<4x2x100xi32, #tpu.memory_space<vmem>> -> memref<1x2x100xi32, #tpu.memory_space<vmem>>
      %dma_start3A_20 = tpu.memref_squeeze %dma_start3A_19 : memref<1x2x100xi32, #tpu.memory_space<vmem>> -> memref<2x100xi32, #tpu.memory_space<vmem>>
      %dma_start3A_21 = arith.constant 0 : i32
      %dma_start3A_22 = arith.constant 0 : i32
      %dma_start3A_23 = tpu.memref_slice %arg2[%add3A_16, %dma_start3A_21, %dma_start3A_22] : memref<1024x2x100xi32, #tpu.memory_space<hbm>> -> memref<1x2x100xi32, #tpu.memory_space<hbm>>
      %dma_start3A_24 = tpu.memref_squeeze %dma_start3A_23 : memref<1x2x100xi32, #tpu.memory_space<hbm>> -> memref<2x100xi32, #tpu.memory_space<hbm>>
      %dma_start3A_25 = arith.constant 0 : i32
      %dma_start3A_26 = arith.constant 0 : i32
      %dma_start3A_27 = tpu.memref_slice %arg6[%dma_start3A, %dma_start3A_25, %dma_start3A_26] : memref<4x2x100xi32, #tpu.memory_space<vmem>> -> memref<1x2x100xi32, #tpu.memory_space<vmem>>
      %dma_start3A_28 = tpu.memref_squeeze %dma_start3A_27 : memref<1x2x100xi32, #tpu.memory_space<vmem>> -> memref<2x100xi32, #tpu.memory_space<vmem>>
      %dma_start3A_29 = arith.constant 0 : i32
      %dma_start3A_30 = arith.constant 0 : i32
      %dma_start3A_31 = tpu.memref_slice %arg2[%add3A_16, %dma_start3A_29, %dma_start3A_30] : memref<1024x2x100xi32, #tpu.memory_space<hbm>> -> memref<1x2x100xi32, #tpu.memory_space<hbm>>
      %dma_start3A_32 = tpu.memref_squeeze %dma_start3A_31 : memref<1x2x100xi32, #tpu.memory_space<hbm>> -> memref<2x100xi32, #tpu.memory_space<hbm>>
      tpu.enqueue_dma source(%dma_start3A_32 : memref<2x100xi32, #tpu.memory_space<hbm>>) target(%dma_start3A_28 : memref<2x100xi32, #tpu.memory_space<vmem>>) target_semaphore(%arg9 : memref<!tpu.dma_semaphore, #tpu.memory_space<semaphore_mem>>)
      %dma_start3A_33 = arith.constant 0 : i32
      %dma_start3A_34 = arith.constant 0 : i32
      %dma_start3A_35 = arith.constant 0 : i32
      %dma_start3A_36 = tpu.memref_slice %arg7[%dma_start3A_33, %dma_start3A_34, %dma_start3A_35] : memref<4x200x64xf32, #tpu.memory_space<vmem>> -> memref<1x200x64xf32, #tpu.memory_space<vmem>>
      %dma_start3A_37 = tpu.memref_squeeze %dma_start3A_36 : memref<1x200x64xf32, #tpu.memory_space<vmem>> -> memref<200x64xf32, #tpu.memory_space<vmem>>
      %dma_start3A_38 = arith.constant 0 : i32
      %dma_start3A_39 = arith.constant 0 : i32
      %dma_start3A_40 = tpu.memref_slice %arg7[%dma_start3A_33, %dma_start3A_38, %dma_start3A_39] : memref<4x200x64xf32, #tpu.memory_space<vmem>> -> memref<1x200x64xf32, #tpu.memory_space<vmem>>
      %dma_start3A_41 = tpu.memref_squeeze %dma_start3A_40 : memref<1x200x64xf32, #tpu.memory_space<vmem>> -> memref<200x64xf32, #tpu.memory_space<vmem>>
      tpu.enqueue_dma source(%arg8 : memref<200x64xf32, #tpu.memory_space<vmem_shared>>) target(%dma_start3A_41 : memref<200x64xf32, #tpu.memory_space<vmem>>) target_semaphore(%arg13 : memref<!tpu.dma_semaphore, #tpu.memory_space<semaphore_mem>>)
      %add3A_42 = arith.addi %mul3A_2, %add3A_13 : i32
      %add3A_43 = arith.constant 1 : i32
      %add3A_44 = arith.addi %add3A_42, %add3A_43 : i32
      %dma_start3A_45 = arith.constant 1 : i32
      %dma_start3A_46 = arith.constant 0 : i32
      %dma_start3A_47 = arith.constant 0 : i32
      %dma_start3A_48 = tpu.memref_slice %arg6[%dma_start3A_45, %dma_start3A_46, %dma_start3A_47] : memref<4x2x100xi32, #tpu.memory_space<vmem>> -> memref<1x2x100xi32, #tpu.memory_space<vmem>>
      %dma_start3A_49 = tpu.memref_squeeze %dma_start3A_48 : memref<1x2x100xi32, #tpu.memory_space<vmem>> -> memref<2x100xi32, #tpu.memory_space<vmem>>
      %dma_start3A_50 = arith.constant 0 : i32
      %dma_start3A_51 = arith.constant 0 : i32
      %dma_start3A_52 = tpu.memref_slice %arg2[%add3A_44, %dma_start3A_50, %dma_start3A_51] : memref<1024x2x100xi32, #tpu.memory_space<hbm>> -> memref<1x2x100xi32, #tpu.memory_space<hbm>>
      %dma_start3A_53 = tpu.memref_squeeze %dma_start3A_52 : memref<1x2x100xi32, #tpu.memory_space<hbm>> -> memref<2x100xi32, #tpu.memory_space<hbm>>
      %dma_start3A_54 = arith.constant 0 : i32
      %dma_start3A_55 = arith.constant 0 : i32
      %dma_start3A_56 = tpu.memref_slice %arg6[%dma_start3A_45, %dma_start3A_54, %dma_start3A_55] : memref<4x2x100xi32, #tpu.memory_space<vmem>> -> memref<1x2x100xi32, #tpu.memory_space<vmem>>
      %dma_start3A_57 = tpu.memref_squeeze %dma_start3A_56 : memref<1x2x100xi32, #tpu.memory_space<vmem>> -> memref<2x100xi32, #tpu.memory_space<vmem>>
      %dma_start3A_58 = arith.constant 0 : i32
      %dma_start3A_59 = arith.constant 0 : i32
      %dma_start3A_60 = tpu.memref_slice %arg2[%add3A_44, %dma_start3A_58, %dma_start3A_59] : memref<1024x2x100xi32, #tpu.memory_space<hbm>> -> memref<1x2x100xi32, #tpu.memory_space<hbm>>
      %dma_start3A_61 = tpu.memref_squeeze %dma_start3A_60 : memref<1x2x100xi32, #tpu.memory_space<hbm>> -> memref<2x100xi32, #tpu.memory_space<hbm>>
      tpu.enqueue_dma source(%dma_start3A_61 : memref<2x100xi32, #tpu.memory_space<hbm>>) target(%dma_start3A_57 : memref<2x100xi32, #tpu.memory_space<vmem>>) target_semaphore(%arg10 : memref<!tpu.dma_semaphore, #tpu.memory_space<semaphore_mem>>)
      %dma_start3A_62 = arith.constant 1 : i32
      %dma_start3A_63 = arith.constant 0 : i32
      %dma_start3A_64 = arith.constant 0 : i32
      %dma_start3A_65 = tpu.memref_slice %arg7[%dma_start3A_62, %dma_start3A_63, %dma_start3A_64] : memref<4x200x64xf32, #tpu.memory_space<vmem>> -> memref<1x200x64xf32, #tpu.memory_space<vmem>>
      %dma_start3A_66 = tpu.memref_squeeze %dma_start3A_65 : memref<1x200x64xf32, #tpu.memory_space<vmem>> -> memref<200x64xf32, #tpu.memory_space<vmem>>
      %dma_start3A_67 = arith.constant 0 : i32
      %dma_start3A_68 = arith.constant 0 : i32
      %dma_start3A_69 = tpu.memref_slice %arg7[%dma_start3A_62, %dma_start3A_67, %dma_start3A_68] : memref<4x200x64xf32, #tpu.memory_space<vmem>> -> memref<1x200x64xf32, #tpu.memory_space<vmem>>
      %dma_start3A_70 = tpu.memref_squeeze %dma_start3A_69 : memref<1x200x64xf32, #tpu.memory_space<vmem>> -> memref<200x64xf32, #tpu.memory_space<vmem>>
      tpu.enqueue_dma source(%arg8 : memref<200x64xf32, #tpu.memory_space<vmem_shared>>) target(%dma_start3A_70 : memref<200x64xf32, #tpu.memory_space<vmem>>) target_semaphore(%arg14 : memref<!tpu.dma_semaphore, #tpu.memory_space<semaphore_mem>>)
      %add3A_71 = arith.addi %mul3A_2, %add3A_13 : i32
      %add3A_72 = arith.constant 2 : i32
      %add3A_73 = arith.addi %add3A_71, %add3A_72 : i32
      %dma_start3A_74 = arith.constant 2 : i32
      %dma_start3A_75 = arith.constant 0 : i32
      %dma_start3A_76 = arith.constant 0 : i32
      %dma_start3A_77 = tpu.memref_slice %arg6[%dma_start3A_74, %dma_start3A_75, %dma_start3A_76] : memref<4x2x100xi32, #tpu.memory_space<vmem>> -> memref<1x2x100xi32, #tpu.memory_space<vmem>>
      %dma_start3A_78 = tpu.memref_squeeze %dma_start3A_77 : memref<1x2x100xi32, #tpu.memory_space<vmem>> -> memref<2x100xi32, #tpu.memory_space<vmem>>
      %dma_start3A_79 = arith.constant 0 : i32
      %dma_start3A_80 = arith.constant 0 : i32
      %dma_start3A_81 = tpu.memref_slice %arg2[%add3A_73, %dma_start3A_79, %dma_start3A_80] : memref<1024x2x100xi32, #tpu.memory_space<hbm>> -> memref<1x2x100xi32, #tpu.memory_space<hbm>>
      %dma_start3A_82 = tpu.memref_squeeze %dma_start3A_81 : memref<1x2x100xi32, #tpu.memory_space<hbm>> -> memref<2x100xi32, #tpu.memory_space<hbm>>
      %dma_start3A_83 = arith.constant 0 : i32
      %dma_start3A_84 = arith.constant 0 : i32
      %dma_start3A_85 = tpu.memref_slice %arg6[%dma_start3A_74, %dma_start3A_83, %dma_start3A_84] : memref<4x2x100xi32, #tpu.memory_space<vmem>> -> memref<1x2x100xi32, #tpu.memory_space<vmem>>
      %dma_start3A_86 = tpu.memref_squeeze %dma_start3A_85 : memref<1x2x100xi32, #tpu.memory_space<vmem>> -> memref<2x100xi32, #tpu.memory_space<vmem>>
      %dma_start3A_87 = arith.constant 0 : i32
      %dma_start3A_88 = arith.constant 0 : i32
      %dma_start3A_89 = tpu.memref_slice %arg2[%add3A_73, %dma_start3A_87, %dma_start3A_88] : memref<1024x2x100xi32, #tpu.memory_space<hbm>> -> memref<1x2x100xi32, #tpu.memory_space<hbm>>
      %dma_start3A_90 = tpu.memref_squeeze %dma_start3A_89 : memref<1x2x100xi32, #tpu.memory_space<hbm>> -> memref<2x100xi32, #tpu.memory_space<hbm>>
      tpu.enqueue_dma source(%dma_start3A_90 : memref<2x100xi32, #tpu.memory_space<hbm>>) target(%dma_start3A_86 : memref<2x100xi32, #tpu.memory_space<vmem>>) target_semaphore(%arg11 : memref<!tpu.dma_semaphore, #tpu.memory_space<semaphore_mem>>)
      %dma_start3A_91 = arith.constant 2 : i32
      %dma_start3A_92 = arith.constant 0 : i32
      %dma_start3A_93 = arith.constant 0 : i32
      %dma_start3A_94 = tpu.memref_slice %arg7[%dma_start3A_91, %dma_start3A_92, %dma_start3A_93] : memref<4x200x64xf32, #tpu.memory_space<vmem>> -> memref<1x200x64xf32, #tpu.memory_space<vmem>>
      %dma_start3A_95 = tpu.memref_squeeze %dma_start3A_94 : memref<1x200x64xf32, #tpu.memory_space<vmem>> -> memref<200x64xf32, #tpu.memory_space<vmem>>
      %dma_start3A_96 = arith.constant 0 : i32
      %dma_start3A_97 = arith.constant 0 : i32
      %dma_start3A_98 = tpu.memref_slice %arg7[%dma_start3A_91, %dma_start3A_96, %dma_start3A_97] : memref<4x200x64xf32, #tpu.memory_space<vmem>> -> memref<1x200x64xf32, #tpu.memory_space<vmem>>
      %dma_start3A_99 = tpu.memref_squeeze %dma_start3A_98 : memref<1x200x64xf32, #tpu.memory_space<vmem>> -> memref<200x64xf32, #tpu.memory_space<vmem>>
      tpu.enqueue_dma source(%arg8 : memref<200x64xf32, #tpu.memory_space<vmem_shared>>) target(%dma_start3A_99 : memref<200x64xf32, #tpu.memory_space<vmem>>) target_semaphore(%arg15 : memref<!tpu.dma_semaphore, #tpu.memory_space<semaphore_mem>>)
      %add3A_100 = arith.addi %mul3A_2, %add3A_13 : i32
      %add3A_101 = arith.constant 3 : i32
      %add3A_102 = arith.addi %add3A_100, %add3A_101 : i32
      %dma_start3A_103 = arith.constant 3 : i32
      %dma_start3A_104 = arith.constant 0 : i32
      %dma_start3A_105 = arith.constant 0 : i32
      %dma_start3A_106 = tpu.memref_slice %arg6[%dma_start3A_103, %dma_start3A_104, %dma_start3A_105] : memref<4x2x100xi32, #tpu.memory_space<vmem>> -> memref<1x2x100xi32, #tpu.memory_space<vmem>>
      %dma_start3A_107 = tpu.memref_squeeze %dma_start3A_106 : memref<1x2x100xi32, #tpu.memory_space<vmem>> -> memref<2x100xi32, #tpu.memory_space<vmem>>
      %dma_start3A_108 = arith.constant 0 : i32
      %dma_start3A_109 = arith.constant 0 : i32
      %dma_start3A_110 = tpu.memref_slice %arg2[%add3A_102, %dma_start3A_108, %dma_start3A_109] : memref<1024x2x100xi32, #tpu.memory_space<hbm>> -> memref<1x2x100xi32, #tpu.memory_space<hbm>>
      %dma_start3A_111 = tpu.memref_squeeze %dma_start3A_110 : memref<1x2x100xi32, #tpu.memory_space<hbm>> -> memref<2x100xi32, #tpu.memory_space<hbm>>
      %dma_start3A_112 = arith.constant 0 : i32
      %dma_start3A_113 = arith.constant 0 : i32
      %dma_start3A_114 = tpu.memref_slice %arg6[%dma_start3A_103, %dma_start3A_112, %dma_start3A_113] : memref<4x2x100xi32, #tpu.memory_space<vmem>> -> memref<1x2x100xi32, #tpu.memory_space<vmem>>
      %dma_start3A_115 = tpu.memref_squeeze %dma_start3A_114 : memref<1x2x100xi32, #tpu.memory_space<vmem>> -> memref<2x100xi32, #tpu.memory_space<vmem>>
      %dma_start3A_116 = arith.constant 0 : i32
      %dma_start3A_117 = arith.constant 0 : i32
      %dma_start3A_118 = tpu.memref_slice %arg2[%add3A_102, %dma_start3A_116, %dma_start3A_117] : memref<1024x2x100xi32, #tpu.memory_space<hbm>> -> memref<1x2x100xi32, #tpu.memory_space<hbm>>
      %dma_start3A_119 = tpu.memref_squeeze %dma_start3A_118 : memref<1x2x100xi32, #tpu.memory_space<hbm>> -> memref<2x100xi32, #tpu.memory_space<hbm>>
      tpu.enqueue_dma source(%dma_start3A_119 : memref<2x100xi32, #tpu.memory_space<hbm>>) target(%dma_start3A_115 : memref<2x100xi32, #tpu.memory_space<vmem>>) target_semaphore(%arg12 : memref<!tpu.dma_semaphore, #tpu.memory_space<semaphore_mem>>)
      %dma_start3A_120 = arith.constant 3 : i32
      %dma_start3A_121 = arith.constant 0 : i32
      %dma_start3A_122 = arith.constant 0 : i32
      %dma_start3A_123 = tpu.memref_slice %arg7[%dma_start3A_120, %dma_start3A_121, %dma_start3A_122] : memref<4x200x64xf32, #tpu.memory_space<vmem>> -> memref<1x200x64xf32, #tpu.memory_space<vmem>>
      %dma_start3A_124 = tpu.memref_squeeze %dma_start3A_123 : memref<1x200x64xf32, #tpu.memory_space<vmem>> -> memref<200x64xf32, #tpu.memory_space<vmem>>
      %dma_start3A_125 = arith.constant 0 : i32
      %dma_start3A_126 = arith.constant 0 : i32
      %dma_start3A_127 = tpu.memref_slice %arg7[%dma_start3A_120, %dma_start3A_125, %dma_start3A_126] : memref<4x200x64xf32, #tpu.memory_space<vmem>> -> memref<1x200x64xf32, #tpu.memory_space<vmem>>
      %dma_start3A_128 = tpu.memref_squeeze %dma_start3A_127 : memref<1x200x64xf32, #tpu.memory_space<vmem>> -> memref<200x64xf32, #tpu.memory_space<vmem>>
      tpu.enqueue_dma source(%arg8 : memref<200x64xf32, #tpu.memory_space<vmem_shared>>) target(%dma_start3A_128 : memref<200x64xf32, #tpu.memory_space<vmem>>) target_semaphore(%arg16 : memref<!tpu.dma_semaphore, #tpu.memory_space<semaphore_mem>>)
      %dma_wait3A = arith.constant 0 : i32
      %dma_wait3A_129 = arith.constant 0 : i32
      %dma_wait3A_130 = arith.constant 0 : i32
      %dma_wait3A_131 = tpu.memref_slice %arg6[%dma_wait3A, %dma_wait3A_129, %dma_wait3A_130] : memref<4x2x100xi32, #tpu.memory_space<vmem>> -> memref<1x2x100xi32, #tpu.memory_space<vmem>>
      %dma_wait3A_132 = tpu.memref_squeeze %dma_wait3A_131 : memref<1x2x100xi32, #tpu.memory_space<vmem>> -> memref<2x100xi32, #tpu.memory_space<vmem>>
      %dma_wait3A_133 = arith.constant 0 : i32
      %dma_wait3A_134 = arith.constant 0 : i32
      %dma_wait3A_135 = tpu.memref_slice %arg2[%add3A_16, %dma_wait3A_133, %dma_wait3A_134] : memref<1024x2x100xi32, #tpu.memory_space<hbm>> -> memref<1x2x100xi32, #tpu.memory_space<hbm>>
      %dma_wait3A_136 = tpu.memref_squeeze %dma_wait3A_135 : memref<1x2x100xi32, #tpu.memory_space<hbm>> -> memref<2x100xi32, #tpu.memory_space<hbm>>
      %dma_wait3A_137 = arith.constant 0 : i32
      %dma_wait3A_138 = arith.constant 0 : i32
      %dma_wait3A_139 = tpu.memref_slice %arg6[%dma_wait3A, %dma_wait3A_137, %dma_wait3A_138] : memref<4x2x100xi32, #tpu.memory_space<vmem>> -> memref<1x2x100xi32, #tpu.memory_space<vmem>>
      %dma_wait3A_140 = tpu.memref_squeeze %dma_wait3A_139 : memref<1x2x100xi32, #tpu.memory_space<vmem>> -> memref<2x100xi32, #tpu.memory_space<vmem>>
      %dma_wait3A_141 = arith.constant 0 : i32
      %dma_wait3A_142 = arith.constant 0 : i32
      %dma_wait3A_143 = tpu.memref_slice %arg2[%add3A_16, %dma_wait3A_141, %dma_wait3A_142] : memref<1024x2x100xi32, #tpu.memory_space<hbm>> -> memref<1x2x100xi32, #tpu.memory_space<hbm>>
      %dma_wait3A_144 = tpu.memref_squeeze %dma_wait3A_143 : memref<1x2x100xi32, #tpu.memory_space<hbm>> -> memref<2x100xi32, #tpu.memory_space<hbm>>
      tpu.wait_dma2 semaphore(%arg9 : memref<!tpu.dma_semaphore, #tpu.memory_space<semaphore_mem>>) src(%dma_wait3A_144 : memref<2x100xi32, #tpu.memory_space<hbm>>) dst(%dma_wait3A_140 : memref<2x100xi32, #tpu.memory_space<vmem>>)
      %dma_wait3A_145 = arith.constant 0 : i32
      %dma_wait3A_146 = arith.constant 0 : i32
      %dma_wait3A_147 = arith.constant 0 : i32
      %dma_wait3A_148 = tpu.memref_slice %arg7[%dma_wait3A_145, %dma_wait3A_146, %dma_wait3A_147] : memref<4x200x64xf32, #tpu.memory_space<vmem>> -> memref<1x200x64xf32, #tpu.memory_space<vmem>>
      %dma_wait3A_149 = tpu.memref_squeeze %dma_wait3A_148 : memref<1x200x64xf32, #tpu.memory_space<vmem>> -> memref<200x64xf32, #tpu.memory_space<vmem>>
      %dma_wait3A_150 = arith.constant 0 : i32
      %dma_wait3A_151 = arith.constant 0 : i32
      %dma_wait3A_152 = tpu.memref_slice %arg7[%dma_wait3A_145, %dma_wait3A_150, %dma_wait3A_151] : memref<4x200x64xf32, #tpu.memory_space<vmem>> -> memref<1x200x64xf32, #tpu.memory_space<vmem>>
      %dma_wait3A_153 = tpu.memref_squeeze %dma_wait3A_152 : memref<1x200x64xf32, #tpu.memory_space<vmem>> -> memref<200x64xf32, #tpu.memory_space<vmem>>
      tpu.wait_dma2 semaphore(%arg13 : memref<!tpu.dma_semaphore, #tpu.memory_space<semaphore_mem>>) src(%arg8 : memref<200x64xf32, #tpu.memory_space<vmem_shared>>) dst(%dma_wait3A_153 : memref<200x64xf32, #tpu.memory_space<vmem>>)
      %dma_start3A_154 = arith.constant 0 : i32
      %dma_start3A_155 = arith.constant 0 : i32
      %dma_start3A_156 = arith.constant 0 : i32
      %dma_start3A_157 = arith.constant 0 : i32
      %dma_start3A_158 = arith.constant 0 : i32
      %dma_start3A_159 = tpu.memref_slice %arg7[%dma_start3A_156, %dma_start3A_157, %dma_start3A_158] : memref<4x200x64xf32, #tpu.memory_space<vmem>> -> memref<1x100x64xf32, #tpu.memory_space<vmem>>
      %dma_start3A_160 = tpu.memref_squeeze %dma_start3A_159 : memref<1x100x64xf32, #tpu.memory_space<vmem>> -> memref<100x64xf32, #tpu.memory_space<vmem>>
      %dma_start3A_161 = arith.constant 0 : i32
      %dma_start3A_162 = tpu.memref_slice %arg6[%dma_start3A_154, %dma_start3A_155, %dma_start3A_161] : memref<4x2x100xi32, #tpu.memory_space<vmem>> -> memref<1x1x100xi32, #tpu.memory_space<vmem>>
      %dma_start3A_163 = tpu.memref_squeeze %dma_start3A_162 : memref<1x1x100xi32, #tpu.memory_space<vmem>> -> memref<100xi32, #tpu.memory_space<vmem>>
      %dma_start3A_164 = arith.constant 0 : i32
      %dma_start3A_165 = arith.constant 0 : i32
      %dma_start3A_166 = tpu.memref_slice %arg3[%dma_start3A_164, %dma_start3A_165] : memref<1000000x64xf32, #tpu.memory_space<hbm>> -> memref<1000000x64xf32, #tpu.memory_space<hbm>>
      tpu.enqueue_indirect_dma source(%dma_start3A_166 : memref<1000000x64xf32, #tpu.memory_space<hbm>>) target(%dma_start3A_160 : memref<100x64xf32, #tpu.memory_space<vmem>>) offsets(%dma_start3A_163 : memref<100xi32, #tpu.memory_space<vmem>>) semaphore(%arg17 : memref<!tpu.dma_semaphore, #tpu.memory_space<semaphore_mem>>) {add = true}
      %dma_start3A_167 = arith.constant 0 : i32
      %dma_start3A_168 = arith.constant 1 : i32
      %dma_start3A_169 = arith.constant 0 : i32
      %dma_start3A_170 = arith.constant 100 : i32
      %dma_start3A_171 = arith.constant 0 : i32
      %dma_start3A_172 = tpu.memref_slice %arg7[%dma_start3A_169, %dma_start3A_170, %dma_start3A_171] : memref<4x200x64xf32, #tpu.memory_space<vmem>> -> memref<1x100x64xf32, #tpu.memory_space<vmem>>
      %dma_start3A_173 = tpu.memref_squeeze %dma_start3A_172 : memref<1x100x64xf32, #tpu.memory_space<vmem>> -> memref<100x64xf32, #tpu.memory_space<vmem>>
      %dma_start3A_174 = arith.constant 0 : i32
      %dma_start3A_175 = tpu.memref_slice %arg6[%dma_start3A_167, %dma_start3A_168, %dma_start3A_174] : memref<4x2x100xi32, #tpu.memory_space<vmem>> -> memref<1x1x100xi32, #tpu.memory_space<vmem>>
      %dma_start3A_176 = tpu.memref_squeeze %dma_start3A_175 : memref<1x1x100xi32, #tpu.memory_space<vmem>> -> memref<100xi32, #tpu.memory_space<vmem>>
      %dma_start3A_177 = arith.constant 0 : i32
      %dma_start3A_178 = arith.constant 0 : i32
      %dma_start3A_179 = tpu.memref_slice %arg3[%dma_start3A_177, %dma_start3A_178] : memref<1000000x64xf32, #tpu.memory_space<hbm>> -> memref<1000000x64xf32, #tpu.memory_space<hbm>>
      tpu.enqueue_indirect_dma source(%dma_start3A_179 : memref<1000000x64xf32, #tpu.memory_space<hbm>>) target(%dma_start3A_173 : memref<100x64xf32, #tpu.memory_space<vmem>>) offsets(%dma_start3A_176 : memref<100xi32, #tpu.memory_space<vmem>>) semaphore(%arg17 : memref<!tpu.dma_semaphore, #tpu.memory_space<semaphore_mem>>) {add = true}
      %dma_wait3A_180 = arith.constant 1 : i32
      %dma_wait3A_181 = arith.constant 0 : i32
      %dma_wait3A_182 = arith.constant 0 : i32
      %dma_wait3A_183 = tpu.memref_slice %arg6[%dma_wait3A_180, %dma_wait3A_181, %dma_wait3A_182] : memref<4x2x100xi32, #tpu.memory_space<vmem>> -> memref<1x2x100xi32, #tpu.memory_space<vmem>>
      %dma_wait3A_184 = tpu.memref_squeeze %dma_wait3A_183 : memref<1x2x100xi32, #tpu.memory_space<vmem>> -> memref<2x100xi32, #tpu.memory_space<vmem>>
      %dma_wait3A_185 = arith.constant 0 : i32
      %dma_wait3A_186 = arith.constant 0 : i32
      %dma_wait3A_187 = tpu.memref_slice %arg2[%add3A_44, %dma_wait3A_185, %dma_wait3A_186] : memref<1024x2x100xi32, #tpu.memory_space<hbm>> -> memref<1x2x100xi32, #tpu.memory_space<hbm>>
      %dma_wait3A_188 = tpu.memref_squeeze %dma_wait3A_187 : memref<1x2x100xi32, #tpu.memory_space<hbm>> -> memref<2x100xi32, #tpu.memory_space<hbm>>
      %dma_wait3A_189 = arith.constant 0 : i32
      %dma_wait3A_190 = arith.constant 0 : i32
      %dma_wait3A_191 = tpu.memref_slice %arg6[%dma_wait3A_180, %dma_wait3A_189, %dma_wait3A_190] : memref<4x2x100xi32, #tpu.memory_space<vmem>> -> memref<1x2x100xi32, #tpu.memory_space<vmem>>
      %dma_wait3A_192 = tpu.memref_squeeze %dma_wait3A_191 : memref<1x2x100xi32, #tpu.memory_space<vmem>> -> memref<2x100xi32, #tpu.memory_space<vmem>>
      %dma_wait3A_193 = arith.constant 0 : i32
      %dma_wait3A_194 = arith.constant 0 : i32
      %dma_wait3A_195 = tpu.memref_slice %arg2[%add3A_44, %dma_wait3A_193, %dma_wait3A_194] : memref<1024x2x100xi32, #tpu.memory_space<hbm>> -> memref<1x2x100xi32, #tpu.memory_space<hbm>>
      %dma_wait3A_196 = tpu.memref_squeeze %dma_wait3A_195 : memref<1x2x100xi32, #tpu.memory_space<hbm>> -> memref<2x100xi32, #tpu.memory_space<hbm>>
      tpu.wait_dma2 semaphore(%arg10 : memref<!tpu.dma_semaphore, #tpu.memory_space<semaphore_mem>>) src(%dma_wait3A_196 : memref<2x100xi32, #tpu.memory_space<hbm>>) dst(%dma_wait3A_192 : memref<2x100xi32, #tpu.memory_space<vmem>>)
      %dma_wait3A_197 = arith.constant 1 : i32
      %dma_wait3A_198 = arith.constant 0 : i32
      %dma_wait3A_199 = arith.constant 0 : i32
      %dma_wait3A_200 = tpu.memref_slice %arg7[%dma_wait3A_197, %dma_wait3A_198, %dma_wait3A_199] : memref<4x200x64xf32, #tpu.memory_space<vmem>> -> memref<1x200x64xf32, #tpu.memory_space<vmem>>
      %dma_wait3A_201 = tpu.memref_squeeze %dma_wait3A_200 : memref<1x200x64xf32, #tpu.memory_space<vmem>> -> memref<200x64xf32, #tpu.memory_space<vmem>>
      %dma_wait3A_202 = arith.constant 0 : i32
      %dma_wait3A_203 = arith.constant 0 : i32
      %dma_wait3A_204 = tpu.memref_slice %arg7[%dma_wait3A_197, %dma_wait3A_202, %dma_wait3A_203] : memref<4x200x64xf32, #tpu.memory_space<vmem>> -> memref<1x200x64xf32, #tpu.memory_space<vmem>>
      %dma_wait3A_205 = tpu.memref_squeeze %dma_wait3A_204 : memref<1x200x64xf32, #tpu.memory_space<vmem>> -> memref<200x64xf32, #tpu.memory_space<vmem>>
      tpu.wait_dma2 semaphore(%arg14 : memref<!tpu.dma_semaphore, #tpu.memory_space<semaphore_mem>>) src(%arg8 : memref<200x64xf32, #tpu.memory_space<vmem_shared>>) dst(%dma_wait3A_205 : memref<200x64xf32, #tpu.memory_space<vmem>>)
      %dma_start3A_206 = arith.constant 1 : i32
      %dma_start3A_207 = arith.constant 0 : i32
      %dma_start3A_208 = arith.constant 1 : i32
      %dma_start3A_209 = arith.constant 0 : i32
      %dma_start3A_210 = arith.constant 0 : i32
      %dma_start3A_211 = tpu.memref_slice %arg7[%dma_start3A_208, %dma_start3A_209, %dma_start3A_210] : memref<4x200x64xf32, #tpu.memory_space<vmem>> -> memref<1x100x64xf32, #tpu.memory_space<vmem>>
      %dma_start3A_212 = tpu.memref_squeeze %dma_start3A_211 : memref<1x100x64xf32, #tpu.memory_space<vmem>> -> memref<100x64xf32, #tpu.memory_space<vmem>>
      %dma_start3A_213 = arith.constant 0 : i32
      %dma_start3A_214 = tpu.memref_slice %arg6[%dma_start3A_206, %dma_start3A_207, %dma_start3A_213] : memref<4x2x100xi32, #tpu.memory_space<vmem>> -> memref<1x1x100xi32, #tpu.memory_space<vmem>>
      %dma_start3A_215 = tpu.memref_squeeze %dma_start3A_214 : memref<1x1x100xi32, #tpu.memory_space<vmem>> -> memref<100xi32, #tpu.memory_space<vmem>>
      %dma_start3A_216 = arith.constant 0 : i32
      %dma_start3A_217 = arith.constant 0 : i32
      %dma_start3A_218 = tpu.memref_slice %arg3[%dma_start3A_216, %dma_start3A_217] : memref<1000000x64xf32, #tpu.memory_space<hbm>> -> memref<1000000x64xf32, #tpu.memory_space<hbm>>
      tpu.enqueue_indirect_dma source(%dma_start3A_218 : memref<1000000x64xf32, #tpu.memory_space<hbm>>) target(%dma_start3A_212 : memref<100x64xf32, #tpu.memory_space<vmem>>) offsets(%dma_start3A_215 : memref<100xi32, #tpu.memory_space<vmem>>) semaphore(%arg18 : memref<!tpu.dma_semaphore, #tpu.memory_space<semaphore_mem>>) {add = true}
      %dma_start3A_219 = arith.constant 1 : i32
      %dma_start3A_220 = arith.constant 1 : i32
      %dma_start3A_221 = arith.constant 1 : i32
      %dma_start3A_222 = arith.constant 100 : i32
      %dma_start3A_223 = arith.constant 0 : i32
      %dma_start3A_224 = tpu.memref_slice %arg7[%dma_start3A_221, %dma_start3A_222, %dma_start3A_223] : memref<4x200x64xf32, #tpu.memory_space<vmem>> -> memref<1x100x64xf32, #tpu.memory_space<vmem>>
      %dma_start3A_225 = tpu.memref_squeeze %dma_start3A_224 : memref<1x100x64xf32, #tpu.memory_space<vmem>> -> memref<100x64xf32, #tpu.memory_space<vmem>>
      %dma_start3A_226 = arith.constant 0 : i32
      %dma_start3A_227 = tpu.memref_slice %arg6[%dma_start3A_219, %dma_start3A_220, %dma_start3A_226] : memref<4x2x100xi32, #tpu.memory_space<vmem>> -> memref<1x1x100xi32, #tpu.memory_space<vmem>>
      %dma_start3A_228 = tpu.memref_squeeze %dma_start3A_227 : memref<1x1x100xi32, #tpu.memory_space<vmem>> -> memref<100xi32, #tpu.memory_space<vmem>>
      %dma_start3A_229 = arith.constant 0 : i32
      %dma_start3A_230 = arith.constant 0 : i32
      %dma_start3A_231 = tpu.memref_slice %arg3[%dma_start3A_229, %dma_start3A_230] : memref<1000000x64xf32, #tpu.memory_space<hbm>> -> memref<1000000x64xf32, #tpu.memory_space<hbm>>
      tpu.enqueue_indirect_dma source(%dma_start3A_231 : memref<1000000x64xf32, #tpu.memory_space<hbm>>) target(%dma_start3A_225 : memref<100x64xf32, #tpu.memory_space<vmem>>) offsets(%dma_start3A_228 : memref<100xi32, #tpu.memory_space<vmem>>) semaphore(%arg18 : memref<!tpu.dma_semaphore, #tpu.memory_space<semaphore_mem>>) {add = true}
      %dma_wait3A_232 = arith.constant 2 : i32
      %dma_wait3A_233 = arith.constant 0 : i32
      %dma_wait3A_234 = arith.constant 0 : i32
      %dma_wait3A_235 = tpu.memref_slice %arg6[%dma_wait3A_232, %dma_wait3A_233, %dma_wait3A_234] : memref<4x2x100xi32, #tpu.memory_space<vmem>> -> memref<1x2x100xi32, #tpu.memory_space<vmem>>
      %dma_wait3A_236 = tpu.memref_squeeze %dma_wait3A_235 : memref<1x2x100xi32, #tpu.memory_space<vmem>> -> memref<2x100xi32, #tpu.memory_space<vmem>>
      %dma_wait3A_237 = arith.constant 0 : i32
      %dma_wait3A_238 = arith.constant 0 : i32
      %dma_wait3A_239 = tpu.memref_slice %arg2[%add3A_73, %dma_wait3A_237, %dma_wait3A_238] : memref<1024x2x100xi32, #tpu.memory_space<hbm>> -> memref<1x2x100xi32, #tpu.memory_space<hbm>>
      %dma_wait3A_240 = tpu.memref_squeeze %dma_wait3A_239 : memref<1x2x100xi32, #tpu.memory_space<hbm>> -> memref<2x100xi32, #tpu.memory_space<hbm>>
      %dma_wait3A_241 = arith.constant 0 : i32
      %dma_wait3A_242 = arith.constant 0 : i32
      %dma_wait3A_243 = tpu.memref_slice %arg6[%dma_wait3A_232, %dma_wait3A_241, %dma_wait3A_242] : memref<4x2x100xi32, #tpu.memory_space<vmem>> -> memref<1x2x100xi32, #tpu.memory_space<vmem>>
      %dma_wait3A_244 = tpu.memref_squeeze %dma_wait3A_243 : memref<1x2x100xi32, #tpu.memory_space<vmem>> -> memref<2x100xi32, #tpu.memory_space<vmem>>
      %dma_wait3A_245 = arith.constant 0 : i32
      %dma_wait3A_246 = arith.constant 0 : i32
      %dma_wait3A_247 = tpu.memref_slice %arg2[%add3A_73, %dma_wait3A_245, %dma_wait3A_246] : memref<1024x2x100xi32, #tpu.memory_space<hbm>> -> memref<1x2x100xi32, #tpu.memory_space<hbm>>
      %dma_wait3A_248 = tpu.memref_squeeze %dma_wait3A_247 : memref<1x2x100xi32, #tpu.memory_space<hbm>> -> memref<2x100xi32, #tpu.memory_space<hbm>>
      tpu.wait_dma2 semaphore(%arg11 : memref<!tpu.dma_semaphore, #tpu.memory_space<semaphore_mem>>) src(%dma_wait3A_248 : memref<2x100xi32, #tpu.memory_space<hbm>>) dst(%dma_wait3A_244 : memref<2x100xi32, #tpu.memory_space<vmem>>)
      %dma_wait3A_249 = arith.constant 2 : i32
      %dma_wait3A_250 = arith.constant 0 : i32
      %dma_wait3A_251 = arith.constant 0 : i32
      %dma_wait3A_252 = tpu.memref_slice %arg7[%dma_wait3A_249, %dma_wait3A_250, %dma_wait3A_251] : memref<4x200x64xf32, #tpu.memory_space<vmem>> -> memref<1x200x64xf32, #tpu.memory_space<vmem>>
      %dma_wait3A_253 = tpu.memref_squeeze %dma_wait3A_252 : memref<1x200x64xf32, #tpu.memory_space<vmem>> -> memref<200x64xf32, #tpu.memory_space<vmem>>
      %dma_wait3A_254 = arith.constant 0 : i32
      %dma_wait3A_255 = arith.constant 0 : i32
      %dma_wait3A_256 = tpu.memref_slice %arg7[%dma_wait3A_249, %dma_wait3A_254, %dma_wait3A_255] : memref<4x200x64xf32, #tpu.memory_space<vmem>> -> memref<1x200x64xf32, #tpu.memory_space<vmem>>
      %dma_wait3A_257 = tpu.memref_squeeze %dma_wait3A_256 : memref<1x200x64xf32, #tpu.memory_space<vmem>> -> memref<200x64xf32, #tpu.memory_space<vmem>>
      tpu.wait_dma2 semaphore(%arg15 : memref<!tpu.dma_semaphore, #tpu.memory_space<semaphore_mem>>) src(%arg8 : memref<200x64xf32, #tpu.memory_space<vmem_shared>>) dst(%dma_wait3A_257 : memref<200x64xf32, #tpu.memory_space<vmem>>)
      %dma_start3A_258 = arith.constant 2 : i32
      %dma_start3A_259 = arith.constant 0 : i32
      %dma_start3A_260 = arith.constant 2 : i32
      %dma_start3A_261 = arith.constant 0 : i32
      %dma_start3A_262 = arith.constant 0 : i32
      %dma_start3A_263 = tpu.memref_slice %arg7[%dma_start3A_260, %dma_start3A_261, %dma_start3A_262] : memref<4x200x64xf32, #tpu.memory_space<vmem>> -> memref<1x100x64xf32, #tpu.memory_space<vmem>>
      %dma_start3A_264 = tpu.memref_squeeze %dma_start3A_263 : memref<1x100x64xf32, #tpu.memory_space<vmem>> -> memref<100x64xf32, #tpu.memory_space<vmem>>
      %dma_start3A_265 = arith.constant 0 : i32
      %dma_start3A_266 = tpu.memref_slice %arg6[%dma_start3A_258, %dma_start3A_259, %dma_start3A_265] : memref<4x2x100xi32, #tpu.memory_space<vmem>> -> memref<1x1x100xi32, #tpu.memory_space<vmem>>
      %dma_start3A_267 = tpu.memref_squeeze %dma_start3A_266 : memref<1x1x100xi32, #tpu.memory_space<vmem>> -> memref<100xi32, #tpu.memory_space<vmem>>
      %dma_start3A_268 = arith.constant 0 : i32
      %dma_start3A_269 = arith.constant 0 : i32
      %dma_start3A_270 = tpu.memref_slice %arg3[%dma_start3A_268, %dma_start3A_269] : memref<1000000x64xf32, #tpu.memory_space<hbm>> -> memref<1000000x64xf32, #tpu.memory_space<hbm>>
      tpu.enqueue_indirect_dma source(%dma_start3A_270 : memref<1000000x64xf32, #tpu.memory_space<hbm>>) target(%dma_start3A_264 : memref<100x64xf32, #tpu.memory_space<vmem>>) offsets(%dma_start3A_267 : memref<100xi32, #tpu.memory_space<vmem>>) semaphore(%arg19 : memref<!tpu.dma_semaphore, #tpu.memory_space<semaphore_mem>>) {add = true}
      %dma_start3A_271 = arith.constant 2 : i32
      %dma_start3A_272 = arith.constant 1 : i32
      %dma_start3A_273 = arith.constant 2 : i32
      %dma_start3A_274 = arith.constant 100 : i32
      %dma_start3A_275 = arith.constant 0 : i32
      %dma_start3A_276 = tpu.memref_slice %arg7[%dma_start3A_273, %dma_start3A_274, %dma_start3A_275] : memref<4x200x64xf32, #tpu.memory_space<vmem>> -> memref<1x100x64xf32, #tpu.memory_space<vmem>>
      %dma_start3A_277 = tpu.memref_squeeze %dma_start3A_276 : memref<1x100x64xf32, #tpu.memory_space<vmem>> -> memref<100x64xf32, #tpu.memory_space<vmem>>
      %dma_start3A_278 = arith.constant 0 : i32
      %dma_start3A_279 = tpu.memref_slice %arg6[%dma_start3A_271, %dma_start3A_272, %dma_start3A_278] : memref<4x2x100xi32, #tpu.memory_space<vmem>> -> memref<1x1x100xi32, #tpu.memory_space<vmem>>
      %dma_start3A_280 = tpu.memref_squeeze %dma_start3A_279 : memref<1x1x100xi32, #tpu.memory_space<vmem>> -> memref<100xi32, #tpu.memory_space<vmem>>
      %dma_start3A_281 = arith.constant 0 : i32
      %dma_start3A_282 = arith.constant 0 : i32
      %dma_start3A_283 = tpu.memref_slice %arg3[%dma_start3A_281, %dma_start3A_282] : memref<1000000x64xf32, #tpu.memory_space<hbm>> -> memref<1000000x64xf32, #tpu.memory_space<hbm>>
      tpu.enqueue_indirect_dma source(%dma_start3A_283 : memref<1000000x64xf32, #tpu.memory_space<hbm>>) target(%dma_start3A_277 : memref<100x64xf32, #tpu.memory_space<vmem>>) offsets(%dma_start3A_280 : memref<100xi32, #tpu.memory_space<vmem>>) semaphore(%arg19 : memref<!tpu.dma_semaphore, #tpu.memory_space<semaphore_mem>>) {add = true}
      %dma_wait3A_284 = arith.constant 3 : i32
      %dma_wait3A_285 = arith.constant 0 : i32
      %dma_wait3A_286 = arith.constant 0 : i32
      %dma_wait3A_287 = tpu.memref_slice %arg6[%dma_wait3A_284, %dma_wait3A_285, %dma_wait3A_286] : memref<4x2x100xi32, #tpu.memory_space<vmem>> -> memref<1x2x100xi32, #tpu.memory_space<vmem>>
      %dma_wait3A_288 = tpu.memref_squeeze %dma_wait3A_287 : memref<1x2x100xi32, #tpu.memory_space<vmem>> -> memref<2x100xi32, #tpu.memory_space<vmem>>
      %dma_wait3A_289 = arith.constant 0 : i32
      %dma_wait3A_290 = arith.constant 0 : i32
      %dma_wait3A_291 = tpu.memref_slice %arg2[%add3A_102, %dma_wait3A_289, %dma_wait3A_290] : memref<1024x2x100xi32, #tpu.memory_space<hbm>> -> memref<1x2x100xi32, #tpu.memory_space<hbm>>
      %dma_wait3A_292 = tpu.memref_squeeze %dma_wait3A_291 : memref<1x2x100xi32, #tpu.memory_space<hbm>> -> memref<2x100xi32, #tpu.memory_space<hbm>>
      %dma_wait3A_293 = arith.constant 0 : i32
      %dma_wait3A_294 = arith.constant 0 : i32
      %dma_wait3A_295 = tpu.memref_slice %arg6[%dma_wait3A_284, %dma_wait3A_293, %dma_wait3A_294] : memref<4x2x100xi32, #tpu.memory_space<vmem>> -> memref<1x2x100xi32, #tpu.memory_space<vmem>>
      %dma_wait3A_296 = tpu.memref_squeeze %dma_wait3A_295 : memref<1x2x100xi32, #tpu.memory_space<vmem>> -> memref<2x100xi32, #tpu.memory_space<vmem>>
      %dma_wait3A_297 = arith.constant 0 : i32
      %dma_wait3A_298 = arith.constant 0 : i32
      %dma_wait3A_299 = tpu.memref_slice %arg2[%add3A_102, %dma_wait3A_297, %dma_wait3A_298] : memref<1024x2x100xi32, #tpu.memory_space<hbm>> -> memref<1x2x100xi32, #tpu.memory_space<hbm>>
      %dma_wait3A_300 = tpu.memref_squeeze %dma_wait3A_299 : memref<1x2x100xi32, #tpu.memory_space<hbm>> -> memref<2x100xi32, #tpu.memory_space<hbm>>
      tpu.wait_dma2 semaphore(%arg12 : memref<!tpu.dma_semaphore, #tpu.memory_space<semaphore_mem>>) src(%dma_wait3A_300 : memref<2x100xi32, #tpu.memory_space<hbm>>) dst(%dma_wait3A_296 : memref<2x100xi32, #tpu.memory_space<vmem>>)
      %dma_wait3A_301 = arith.constant 3 : i32
      %dma_wait3A_302 = arith.constant 0 : i32
      %dma_wait3A_303 = arith.constant 0 : i32
      %dma_wait3A_304 = tpu.memref_slice %arg7[%dma_wait3A_301, %dma_wait3A_302, %dma_wait3A_303] : memref<4x200x64xf32, #tpu.memory_space<vmem>> -> memref<1x200x64xf32, #tpu.memory_space<vmem>>
      %dma_wait3A_305 = tpu.memref_squeeze %dma_wait3A_304 : memref<1x200x64xf32, #tpu.memory_space<vmem>> -> memref<200x64xf32, #tpu.memory_space<vmem>>
      %dma_wait3A_306 = arith.constant 0 : i32
      %dma_wait3A_307 = arith.constant 0 : i32
      %dma_wait3A_308 = tpu.memref_slice %arg7[%dma_wait3A_301, %dma_wait3A_306, %dma_wait3A_307] : memref<4x200x64xf32, #tpu.memory_space<vmem>> -> memref<1x200x64xf32, #tpu.memory_space<vmem>>
      %dma_wait3A_309 = tpu.memref_squeeze %dma_wait3A_308 : memref<1x200x64xf32, #tpu.memory_space<vmem>> -> memref<200x64xf32, #tpu.memory_space<vmem>>
      tpu.wait_dma2 semaphore(%arg16 : memref<!tpu.dma_semaphore, #tpu.memory_space<semaphore_mem>>) src(%arg8 : memref<200x64xf32, #tpu.memory_space<vmem_shared>>) dst(%dma_wait3A_309 : memref<200x64xf32, #tpu.memory_space<vmem>>)
      %dma_start3A_310 = arith.constant 3 : i32
      %dma_start3A_311 = arith.constant 0 : i32
      %dma_start3A_312 = arith.constant 3 : i32
      %dma_start3A_313 = arith.constant 0 : i32
      %dma_start3A_314 = arith.constant 0 : i32
      %dma_start3A_315 = tpu.memref_slice %arg7[%dma_start3A_312, %dma_start3A_313, %dma_start3A_314] : memref<4x200x64xf32, #tpu.memory_space<vmem>> -> memref<1x100x64xf32, #tpu.memory_space<vmem>>
      %dma_start3A_316 = tpu.memref_squeeze %dma_start3A_315 : memref<1x100x64xf32, #tpu.memory_space<vmem>> -> memref<100x64xf32, #tpu.memory_space<vmem>>
      %dma_start3A_317 = arith.constant 0 : i32
      %dma_start3A_318 = tpu.memref_slice %arg6[%dma_start3A_310, %dma_start3A_311, %dma_start3A_317] : memref<4x2x100xi32, #tpu.memory_space<vmem>> -> memref<1x1x100xi32, #tpu.memory_space<vmem>>
      %dma_start3A_319 = tpu.memref_squeeze %dma_start3A_318 : memref<1x1x100xi32, #tpu.memory_space<vmem>> -> memref<100xi32, #tpu.memory_space<vmem>>
      %dma_start3A_320 = arith.constant 0 : i32
      %dma_start3A_321 = arith.constant 0 : i32
      %dma_start3A_322 = tpu.memref_slice %arg3[%dma_start3A_320, %dma_start3A_321] : memref<1000000x64xf32, #tpu.memory_space<hbm>> -> memref<1000000x64xf32, #tpu.memory_space<hbm>>
      tpu.enqueue_indirect_dma source(%dma_start3A_322 : memref<1000000x64xf32, #tpu.memory_space<hbm>>) target(%dma_start3A_316 : memref<100x64xf32, #tpu.memory_space<vmem>>) offsets(%dma_start3A_319 : memref<100xi32, #tpu.memory_space<vmem>>) semaphore(%arg20 : memref<!tpu.dma_semaphore, #tpu.memory_space<semaphore_mem>>) {add = true}
      %dma_start3A_323 = arith.constant 3 : i32
      %dma_start3A_324 = arith.constant 1 : i32
      %dma_start3A_325 = arith.constant 3 : i32
      %dma_start3A_326 = arith.constant 100 : i32
      %dma_start3A_327 = arith.constant 0 : i32
      %dma_start3A_328 = tpu.memref_slice %arg7[%dma_start3A_325, %dma_start3A_326, %dma_start3A_327] : memref<4x200x64xf32, #tpu.memory_space<vmem>> -> memref<1x100x64xf32, #tpu.memory_space<vmem>>
      %dma_start3A_329 = tpu.memref_squeeze %dma_start3A_328 : memref<1x100x64xf32, #tpu.memory_space<vmem>> -> memref<100x64xf32, #tpu.memory_space<vmem>>
      %dma_start3A_330 = arith.constant 0 : i32
      %dma_start3A_331 = tpu.memref_slice %arg6[%dma_start3A_323, %dma_start3A_324, %dma_start3A_330] : memref<4x2x100xi32, #tpu.memory_space<vmem>> -> memref<1x1x100xi32, #tpu.memory_space<vmem>>
      %dma_start3A_332 = tpu.memref_squeeze %dma_start3A_331 : memref<1x1x100xi32, #tpu.memory_space<vmem>> -> memref<100xi32, #tpu.memory_space<vmem>>
      %dma_start3A_333 = arith.constant 0 : i32
      %dma_start3A_334 = arith.constant 0 : i32
      %dma_start3A_335 = tpu.memref_slice %arg3[%dma_start3A_333, %dma_start3A_334] : memref<1000000x64xf32, #tpu.memory_space<hbm>> -> memref<1000000x64xf32, #tpu.memory_space<hbm>>
      tpu.enqueue_indirect_dma source(%dma_start3A_335 : memref<1000000x64xf32, #tpu.memory_space<hbm>>) target(%dma_start3A_329 : memref<100x64xf32, #tpu.memory_space<vmem>>) offsets(%dma_start3A_332 : memref<100xi32, #tpu.memory_space<vmem>>) semaphore(%arg20 : memref<!tpu.dma_semaphore, #tpu.memory_space<semaphore_mem>>) {add = true}
      %dma_wait3A_336 = arith.constant 0 : i32
      %dma_wait3A_337 = arith.constant 0 : i32
      %dma_wait3A_338 = arith.constant 0 : i32
      %dma_wait3A_339 = arith.constant 0 : i32
      %dma_wait3A_340 = arith.constant 0 : i32
      %dma_wait3A_341 = tpu.memref_slice %arg7[%dma_wait3A_338, %dma_wait3A_339, %dma_wait3A_340] : memref<4x200x64xf32, #tpu.memory_space<vmem>> -> memref<1x100x64xf32, #tpu.memory_space<vmem>>
      %dma_wait3A_342 = tpu.memref_squeeze %dma_wait3A_341 : memref<1x100x64xf32, #tpu.memory_space<vmem>> -> memref<100x64xf32, #tpu.memory_space<vmem>>
      %dma_wait3A_343 = arith.constant 0 : i32
      %dma_wait3A_344 = tpu.memref_slice %arg6[%dma_wait3A_336, %dma_wait3A_337, %dma_wait3A_343] : memref<4x2x100xi32, #tpu.memory_space<vmem>> -> memref<1x1x100xi32, #tpu.memory_space<vmem>>
      %dma_wait3A_345 = tpu.memref_squeeze %dma_wait3A_344 : memref<1x1x100xi32, #tpu.memory_space<vmem>> -> memref<100xi32, #tpu.memory_space<vmem>>
      %dma_wait3A_346 = arith.constant 0 : i32
      %dma_wait3A_347 = arith.constant 0 : i32
      %dma_wait3A_348 = tpu.memref_slice %arg3[%dma_wait3A_346, %dma_wait3A_347] : memref<1000000x64xf32, #tpu.memory_space<hbm>> -> memref<1000000x64xf32, #tpu.memory_space<hbm>>
      tpu.wait_indirect_dma semaphore(%arg17 : memref<!tpu.dma_semaphore, #tpu.memory_space<semaphore_mem>>) src(%dma_wait3A_348 : memref<1000000x64xf32, #tpu.memory_space<hbm>>) dst(%dma_wait3A_342 : memref<100x64xf32, #tpu.memory_space<vmem>>)
      %dma_wait3A_349 = arith.constant 0 : i32
      %dma_wait3A_350 = arith.constant 1 : i32
      %dma_wait3A_351 = arith.constant 0 : i32
      %dma_wait3A_352 = arith.constant 100 : i32
      %dma_wait3A_353 = arith.constant 0 : i32
      %dma_wait3A_354 = tpu.memref_slice %arg7[%dma_wait3A_351, %dma_wait3A_352, %dma_wait3A_353] : memref<4x200x64xf32, #tpu.memory_space<vmem>> -> memref<1x100x64xf32, #tpu.memory_space<vmem>>
      %dma_wait3A_355 = tpu.memref_squeeze %dma_wait3A_354 : memref<1x100x64xf32, #tpu.memory_space<vmem>> -> memref<100x64xf32, #tpu.memory_space<vmem>>
      %dma_wait3A_356 = arith.constant 0 : i32
      %dma_wait3A_357 = tpu.memref_slice %arg6[%dma_wait3A_349, %dma_wait3A_350, %dma_wait3A_356] : memref<4x2x100xi32, #tpu.memory_space<vmem>> -> memref<1x1x100xi32, #tpu.memory_space<vmem>>
      %dma_wait3A_358 = tpu.memref_squeeze %dma_wait3A_357 : memref<1x1x100xi32, #tpu.memory_space<vmem>> -> memref<100xi32, #tpu.memory_space<vmem>>
      %dma_wait3A_359 = arith.constant 0 : i32
      %dma_wait3A_360 = arith.constant 0 : i32
      %dma_wait3A_361 = tpu.memref_slice %arg3[%dma_wait3A_359, %dma_wait3A_360] : memref<1000000x64xf32, #tpu.memory_space<hbm>> -> memref<1000000x64xf32, #tpu.memory_space<hbm>>
      tpu.wait_indirect_dma semaphore(%arg17 : memref<!tpu.dma_semaphore, #tpu.memory_space<semaphore_mem>>) src(%dma_wait3A_361 : memref<1000000x64xf32, #tpu.memory_space<hbm>>) dst(%dma_wait3A_355 : memref<100x64xf32, #tpu.memory_space<vmem>>)
      %add3A_362 = arith.addi %mul3A_2, %add3A_13 : i32
      %add3A_363 = arith.constant 0 : i32
      %add3A_364 = arith.addi %add3A_362, %add3A_363 : i32
      %dma_start3A_365 = arith.constant 0 : i32
      %dma_start3A_366 = arith.constant 0 : i32
      %dma_start3A_367 = arith.constant 0 : i32
      %dma_start3A_368 = tpu.memref_slice %arg7[%dma_start3A_365, %dma_start3A_366, %dma_start3A_367] : memref<4x200x64xf32, #tpu.memory_space<vmem>> -> memref<1x200x64xf32, #tpu.memory_space<vmem>>
      %dma_start3A_369 = tpu.memref_squeeze %dma_start3A_368 : memref<1x200x64xf32, #tpu.memory_space<vmem>> -> memref<200x64xf32, #tpu.memory_space<vmem>>
      %dma_start3A_370 = arith.constant 0 : i32
      %dma_start3A_371 = arith.constant 0 : i32
      %dma_start3A_372 = tpu.memref_slice %arg5[%add3A_364, %dma_start3A_370, %dma_start3A_371] : memref<1024x200x64xf32, #tpu.memory_space<hbm>> -> memref<1x200x64xf32, #tpu.memory_space<hbm>>
      %dma_start3A_373 = tpu.memref_squeeze %dma_start3A_372 : memref<1x200x64xf32, #tpu.memory_space<hbm>> -> memref<200x64xf32, #tpu.memory_space<hbm>>
      %dma_start3A_374 = arith.constant 0 : i32
      %dma_start3A_375 = arith.constant 0 : i32
      %dma_start3A_376 = tpu.memref_slice %arg5[%add3A_364, %dma_start3A_374, %dma_start3A_375] : memref<1024x200x64xf32, #tpu.memory_space<hbm>> -> memref<1x200x64xf32, #tpu.memory_space<hbm>>
      %dma_start3A_377 = tpu.memref_squeeze %dma_start3A_376 : memref<1x200x64xf32, #tpu.memory_space<hbm>> -> memref<200x64xf32, #tpu.memory_space<hbm>>
      %dma_start3A_378 = arith.constant 0 : i32
      %dma_start3A_379 = arith.constant 0 : i32
      %dma_start3A_380 = tpu.memref_slice %arg7[%dma_start3A_365, %dma_start3A_378, %dma_start3A_379] : memref<4x200x64xf32, #tpu.memory_space<vmem>> -> memref<1x200x64xf32, #tpu.memory_space<vmem>>
      %dma_start3A_381 = tpu.memref_squeeze %dma_start3A_380 : memref<1x200x64xf32, #tpu.memory_space<vmem>> -> memref<200x64xf32, #tpu.memory_space<vmem>>
      tpu.enqueue_dma source(%dma_start3A_381 : memref<200x64xf32, #tpu.memory_space<vmem>>) target(%dma_start3A_377 : memref<200x64xf32, #tpu.memory_space<hbm>>) target_semaphore(%arg21 : memref<!tpu.dma_semaphore, #tpu.memory_space<semaphore_mem>>)
      %dma_wait3A_382 = arith.constant 1 : i32
      %dma_wait3A_383 = arith.constant 0 : i32
      %dma_wait3A_384 = arith.constant 1 : i32
      %dma_wait3A_385 = arith.constant 0 : i32
      %dma_wait3A_386 = arith.constant 0 : i32
      %dma_wait3A_387 = tpu.memref_slice %arg7[%dma_wait3A_384, %dma_wait3A_385, %dma_wait3A_386] : memref<4x200x64xf32, #tpu.memory_space<vmem>> -> memref<1x100x64xf32, #tpu.memory_space<vmem>>
      %dma_wait3A_388 = tpu.memref_squeeze %dma_wait3A_387 : memref<1x100x64xf32, #tpu.memory_space<vmem>> -> memref<100x64xf32, #tpu.memory_space<vmem>>
      %dma_wait3A_389 = arith.constant 0 : i32
      %dma_wait3A_390 = tpu.memref_slice %arg6[%dma_wait3A_382, %dma_wait3A_383, %dma_wait3A_389] : memref<4x2x100xi32, #tpu.memory_space<vmem>> -> memref<1x1x100xi32, #tpu.memory_space<vmem>>
      %dma_wait3A_391 = tpu.memref_squeeze %dma_wait3A_390 : memref<1x1x100xi32, #tpu.memory_space<vmem>> -> memref<100xi32, #tpu.memory_space<vmem>>
      %dma_wait3A_392 = arith.constant 0 : i32
      %dma_wait3A_393 = arith.constant 0 : i32
      %dma_wait3A_394 = tpu.memref_slice %arg3[%dma_wait3A_392, %dma_wait3A_393] : memref<1000000x64xf32, #tpu.memory_space<hbm>> -> memref<1000000x64xf32, #tpu.memory_space<hbm>>
      tpu.wait_indirect_dma semaphore(%arg18 : memref<!tpu.dma_semaphore, #tpu.memory_space<semaphore_mem>>) src(%dma_wait3A_394 : memref<1000000x64xf32, #tpu.memory_space<hbm>>) dst(%dma_wait3A_388 : memref<100x64xf32, #tpu.memory_space<vmem>>)
      %dma_wait3A_395 = arith.constant 1 : i32
      %dma_wait3A_396 = arith.constant 1 : i32
      %dma_wait3A_397 = arith.constant 1 : i32
      %dma_wait3A_398 = arith.constant 100 : i32
      %dma_wait3A_399 = arith.constant 0 : i32
      %dma_wait3A_400 = tpu.memref_slice %arg7[%dma_wait3A_397, %dma_wait3A_398, %dma_wait3A_399] : memref<4x200x64xf32, #tpu.memory_space<vmem>> -> memref<1x100x64xf32, #tpu.memory_space<vmem>>
      %dma_wait3A_401 = tpu.memref_squeeze %dma_wait3A_400 : memref<1x100x64xf32, #tpu.memory_space<vmem>> -> memref<100x64xf32, #tpu.memory_space<vmem>>
      %dma_wait3A_402 = arith.constant 0 : i32
      %dma_wait3A_403 = tpu.memref_slice %arg6[%dma_wait3A_395, %dma_wait3A_396, %dma_wait3A_402] : memref<4x2x100xi32, #tpu.memory_space<vmem>> -> memref<1x1x100xi32, #tpu.memory_space<vmem>>
      %dma_wait3A_404 = tpu.memref_squeeze %dma_wait3A_403 : memref<1x1x100xi32, #tpu.memory_space<vmem>> -> memref<100xi32, #tpu.memory_space<vmem>>
      %dma_wait3A_405 = arith.constant 0 : i32
      %dma_wait3A_406 = arith.constant 0 : i32
      %dma_wait3A_407 = tpu.memref_slice %arg3[%dma_wait3A_405, %dma_wait3A_406] : memref<1000000x64xf32, #tpu.memory_space<hbm>> -> memref<1000000x64xf32, #tpu.memory_space<hbm>>
      tpu.wait_indirect_dma semaphore(%arg18 : memref<!tpu.dma_semaphore, #tpu.memory_space<semaphore_mem>>) src(%dma_wait3A_407 : memref<1000000x64xf32, #tpu.memory_space<hbm>>) dst(%dma_wait3A_401 : memref<100x64xf32, #tpu.memory_space<vmem>>)
      %add3A_408 = arith.addi %mul3A_2, %add3A_13 : i32
      %add3A_409 = arith.constant 1 : i32
      %add3A_410 = arith.addi %add3A_408, %add3A_409 : i32
      %dma_start3A_411 = arith.constant 1 : i32
      %dma_start3A_412 = arith.constant 0 : i32
      %dma_start3A_413 = arith.constant 0 : i32
      %dma_start3A_414 = tpu.memref_slice %arg7[%dma_start3A_411, %dma_start3A_412, %dma_start3A_413] : memref<4x200x64xf32, #tpu.memory_space<vmem>> -> memref<1x200x64xf32, #tpu.memory_space<vmem>>
      %dma_start3A_415 = tpu.memref_squeeze %dma_start3A_414 : memref<1x200x64xf32, #tpu.memory_space<vmem>> -> memref<200x64xf32, #tpu.memory_space<vmem>>
      %dma_start3A_416 = arith.constant 0 : i32
      %dma_start3A_417 = arith.constant 0 : i32
      %dma_start3A_418 = tpu.memref_slice %arg5[%add3A_410, %dma_start3A_416, %dma_start3A_417] : memref<1024x200x64xf32, #tpu.memory_space<hbm>> -> memref<1x200x64xf32, #tpu.memory_space<hbm>>
      %dma_start3A_419 = tpu.memref_squeeze %dma_start3A_418 : memref<1x200x64xf32, #tpu.memory_space<hbm>> -> memref<200x64xf32, #tpu.memory_space<hbm>>
      %dma_start3A_420 = arith.constant 0 : i32
      %dma_start3A_421 = arith.constant 0 : i32
      %dma_start3A_422 = tpu.memref_slice %arg5[%add3A_410, %dma_start3A_420, %dma_start3A_421] : memref<1024x200x64xf32, #tpu.memory_space<hbm>> -> memref<1x200x64xf32, #tpu.memory_space<hbm>>
      %dma_start3A_423 = tpu.memref_squeeze %dma_start3A_422 : memref<1x200x64xf32, #tpu.memory_space<hbm>> -> memref<200x64xf32, #tpu.memory_space<hbm>>
      %dma_start3A_424 = arith.constant 0 : i32
      %dma_start3A_425 = arith.constant 0 : i32
      %dma_start3A_426 = tpu.memref_slice %arg7[%dma_start3A_411, %dma_start3A_424, %dma_start3A_425] : memref<4x200x64xf32, #tpu.memory_space<vmem>> -> memref<1x200x64xf32, #tpu.memory_space<vmem>>
      %dma_start3A_427 = tpu.memref_squeeze %dma_start3A_426 : memref<1x200x64xf32, #tpu.memory_space<vmem>> -> memref<200x64xf32, #tpu.memory_space<vmem>>
      tpu.enqueue_dma source(%dma_start3A_427 : memref<200x64xf32, #tpu.memory_space<vmem>>) target(%dma_start3A_423 : memref<200x64xf32, #tpu.memory_space<hbm>>) target_semaphore(%arg22 : memref<!tpu.dma_semaphore, #tpu.memory_space<semaphore_mem>>)
      %dma_wait3A_428 = arith.constant 2 : i32
      %dma_wait3A_429 = arith.constant 0 : i32
      %dma_wait3A_430 = arith.constant 2 : i32
      %dma_wait3A_431 = arith.constant 0 : i32
      %dma_wait3A_432 = arith.constant 0 : i32
      %dma_wait3A_433 = tpu.memref_slice %arg7[%dma_wait3A_430, %dma_wait3A_431, %dma_wait3A_432] : memref<4x200x64xf32, #tpu.memory_space<vmem>> -> memref<1x100x64xf32, #tpu.memory_space<vmem>>
      %dma_wait3A_434 = tpu.memref_squeeze %dma_wait3A_433 : memref<1x100x64xf32, #tpu.memory_space<vmem>> -> memref<100x64xf32, #tpu.memory_space<vmem>>
      %dma_wait3A_435 = arith.constant 0 : i32
      %dma_wait3A_436 = tpu.memref_slice %arg6[%dma_wait3A_428, %dma_wait3A_429, %dma_wait3A_435] : memref<4x2x100xi32, #tpu.memory_space<vmem>> -> memref<1x1x100xi32, #tpu.memory_space<vmem>>
      %dma_wait3A_437 = tpu.memref_squeeze %dma_wait3A_436 : memref<1x1x100xi32, #tpu.memory_space<vmem>> -> memref<100xi32, #tpu.memory_space<vmem>>
      %dma_wait3A_438 = arith.constant 0 : i32
      %dma_wait3A_439 = arith.constant 0 : i32
      %dma_wait3A_440 = tpu.memref_slice %arg3[%dma_wait3A_438, %dma_wait3A_439] : memref<1000000x64xf32, #tpu.memory_space<hbm>> -> memref<1000000x64xf32, #tpu.memory_space<hbm>>
      tpu.wait_indirect_dma semaphore(%arg19 : memref<!tpu.dma_semaphore, #tpu.memory_space<semaphore_mem>>) src(%dma_wait3A_440 : memref<1000000x64xf32, #tpu.memory_space<hbm>>) dst(%dma_wait3A_434 : memref<100x64xf32, #tpu.memory_space<vmem>>)
      %dma_wait3A_441 = arith.constant 2 : i32
      %dma_wait3A_442 = arith.constant 1 : i32
      %dma_wait3A_443 = arith.constant 2 : i32
      %dma_wait3A_444 = arith.constant 100 : i32
      %dma_wait3A_445 = arith.constant 0 : i32
      %dma_wait3A_446 = tpu.memref_slice %arg7[%dma_wait3A_443, %dma_wait3A_444, %dma_wait3A_445] : memref<4x200x64xf32, #tpu.memory_space<vmem>> -> memref<1x100x64xf32, #tpu.memory_space<vmem>>
      %dma_wait3A_447 = tpu.memref_squeeze %dma_wait3A_446 : memref<1x100x64xf32, #tpu.memory_space<vmem>> -> memref<100x64xf32, #tpu.memory_space<vmem>>
      %dma_wait3A_448 = arith.constant 0 : i32
      %dma_wait3A_449 = tpu.memref_slice %arg6[%dma_wait3A_441, %dma_wait3A_442, %dma_wait3A_448] : memref<4x2x100xi32, #tpu.memory_space<vmem>> -> memref<1x1x100xi32, #tpu.memory_space<vmem>>
      %dma_wait3A_450 = tpu.memref_squeeze %dma_wait3A_449 : memref<1x1x100xi32, #tpu.memory_space<vmem>> -> memref<100xi32, #tpu.memory_space<vmem>>
      %dma_wait3A_451 = arith.constant 0 : i32
      %dma_wait3A_452 = arith.constant 0 : i32
      %dma_wait3A_453 = tpu.memref_slice %arg3[%dma_wait3A_451, %dma_wait3A_452] : memref<1000000x64xf32, #tpu.memory_space<hbm>> -> memref<1000000x64xf32, #tpu.memory_space<hbm>>
      tpu.wait_indirect_dma semaphore(%arg19 : memref<!tpu.dma_semaphore, #tpu.memory_space<semaphore_mem>>) src(%dma_wait3A_453 : memref<1000000x64xf32, #tpu.memory_space<hbm>>) dst(%dma_wait3A_447 : memref<100x64xf32, #tpu.memory_space<vmem>>)
      %add3A_454 = arith.addi %mul3A_2, %add3A_13 : i32
      %add3A_455 = arith.constant 2 : i32
      %add3A_456 = arith.addi %add3A_454, %add3A_455 : i32
      %dma_start3A_457 = arith.constant 2 : i32
      %dma_start3A_458 = arith.constant 0 : i32
      %dma_start3A_459 = arith.constant 0 : i32
      %dma_start3A_460 = tpu.memref_slice %arg7[%dma_start3A_457, %dma_start3A_458, %dma_start3A_459] : memref<4x200x64xf32, #tpu.memory_space<vmem>> -> memref<1x200x64xf32, #tpu.memory_space<vmem>>
      %dma_start3A_461 = tpu.memref_squeeze %dma_start3A_460 : memref<1x200x64xf32, #tpu.memory_space<vmem>> -> memref<200x64xf32, #tpu.memory_space<vmem>>
      %dma_start3A_462 = arith.constant 0 : i32
      %dma_start3A_463 = arith.constant 0 : i32
      %dma_start3A_464 = tpu.memref_slice %arg5[%add3A_456, %dma_start3A_462, %dma_start3A_463] : memref<1024x200x64xf32, #tpu.memory_space<hbm>> -> memref<1x200x64xf32, #tpu.memory_space<hbm>>
      %dma_start3A_465 = tpu.memref_squeeze %dma_start3A_464 : memref<1x200x64xf32, #tpu.memory_space<hbm>> -> memref<200x64xf32, #tpu.memory_space<hbm>>
      %dma_start3A_466 = arith.constant 0 : i32
      %dma_start3A_467 = arith.constant 0 : i32
      %dma_start3A_468 = tpu.memref_slice %arg5[%add3A_456, %dma_start3A_466, %dma_start3A_467] : memref<1024x200x64xf32, #tpu.memory_space<hbm>> -> memref<1x200x64xf32, #tpu.memory_space<hbm>>
      %dma_start3A_469 = tpu.memref_squeeze %dma_start3A_468 : memref<1x200x64xf32, #tpu.memory_space<hbm>> -> memref<200x64xf32, #tpu.memory_space<hbm>>
      %dma_start3A_470 = arith.constant 0 : i32
      %dma_start3A_471 = arith.constant 0 : i32
      %dma_start3A_472 = tpu.memref_slice %arg7[%dma_start3A_457, %dma_start3A_470, %dma_start3A_471] : memref<4x200x64xf32, #tpu.memory_space<vmem>> -> memref<1x200x64xf32, #tpu.memory_space<vmem>>
      %dma_start3A_473 = tpu.memref_squeeze %dma_start3A_472 : memref<1x200x64xf32, #tpu.memory_space<vmem>> -> memref<200x64xf32, #tpu.memory_space<vmem>>
      tpu.enqueue_dma source(%dma_start3A_473 : memref<200x64xf32, #tpu.memory_space<vmem>>) target(%dma_start3A_469 : memref<200x64xf32, #tpu.memory_space<hbm>>) target_semaphore(%arg23 : memref<!tpu.dma_semaphore, #tpu.memory_space<semaphore_mem>>)
      %dma_wait3A_474 = arith.constant 3 : i32
      %dma_wait3A_475 = arith.constant 0 : i32
      %dma_wait3A_476 = arith.constant 3 : i32
      %dma_wait3A_477 = arith.constant 0 : i32
      %dma_wait3A_478 = arith.constant 0 : i32
      %dma_wait3A_479 = tpu.memref_slice %arg7[%dma_wait3A_476, %dma_wait3A_477, %dma_wait3A_478] : memref<4x200x64xf32, #tpu.memory_space<vmem>> -> memref<1x100x64xf32, #tpu.memory_space<vmem>>
      %dma_wait3A_480 = tpu.memref_squeeze %dma_wait3A_479 : memref<1x100x64xf32, #tpu.memory_space<vmem>> -> memref<100x64xf32, #tpu.memory_space<vmem>>
      %dma_wait3A_481 = arith.constant 0 : i32
      %dma_wait3A_482 = tpu.memref_slice %arg6[%dma_wait3A_474, %dma_wait3A_475, %dma_wait3A_481] : memref<4x2x100xi32, #tpu.memory_space<vmem>> -> memref<1x1x100xi32, #tpu.memory_space<vmem>>
      %dma_wait3A_483 = tpu.memref_squeeze %dma_wait3A_482 : memref<1x1x100xi32, #tpu.memory_space<vmem>> -> memref<100xi32, #tpu.memory_space<vmem>>
      %dma_wait3A_484 = arith.constant 0 : i32
      %dma_wait3A_485 = arith.constant 0 : i32
      %dma_wait3A_486 = tpu.memref_slice %arg3[%dma_wait3A_484, %dma_wait3A_485] : memref<1000000x64xf32, #tpu.memory_space<hbm>> -> memref<1000000x64xf32, #tpu.memory_space<hbm>>
      tpu.wait_indirect_dma semaphore(%arg20 : memref<!tpu.dma_semaphore, #tpu.memory_space<semaphore_mem>>) src(%dma_wait3A_486 : memref<1000000x64xf32, #tpu.memory_space<hbm>>) dst(%dma_wait3A_480 : memref<100x64xf32, #tpu.memory_space<vmem>>)
      %dma_wait3A_487 = arith.constant 3 : i32
      %dma_wait3A_488 = arith.constant 1 : i32
      %dma_wait3A_489 = arith.constant 3 : i32
      %dma_wait3A_490 = arith.constant 100 : i32
      %dma_wait3A_491 = arith.constant 0 : i32
      %dma_wait3A_492 = tpu.memref_slice %arg7[%dma_wait3A_489, %dma_wait3A_490, %dma_wait3A_491] : memref<4x200x64xf32, #tpu.memory_space<vmem>> -> memref<1x100x64xf32, #tpu.memory_space<vmem>>
      %dma_wait3A_493 = tpu.memref_squeeze %dma_wait3A_492 : memref<1x100x64xf32, #tpu.memory_space<vmem>> -> memref<100x64xf32, #tpu.memory_space<vmem>>
      %dma_wait3A_494 = arith.constant 0 : i32
      %dma_wait3A_495 = tpu.memref_slice %arg6[%dma_wait3A_487, %dma_wait3A_488, %dma_wait3A_494] : memref<4x2x100xi32, #tpu.memory_space<vmem>> -> memref<1x1x100xi32, #tpu.memory_space<vmem>>
      %dma_wait3A_496 = tpu.memref_squeeze %dma_wait3A_495 : memref<1x1x100xi32, #tpu.memory_space<vmem>> -> memref<100xi32, #tpu.memory_space<vmem>>
      %dma_wait3A_497 = arith.constant 0 : i32
      %dma_wait3A_498 = arith.constant 0 : i32
      %dma_wait3A_499 = tpu.memref_slice %arg3[%dma_wait3A_497, %dma_wait3A_498] : memref<1000000x64xf32, #tpu.memory_space<hbm>> -> memref<1000000x64xf32, #tpu.memory_space<hbm>>
      tpu.wait_indirect_dma semaphore(%arg20 : memref<!tpu.dma_semaphore, #tpu.memory_space<semaphore_mem>>) src(%dma_wait3A_499 : memref<1000000x64xf32, #tpu.memory_space<hbm>>) dst(%dma_wait3A_493 : memref<100x64xf32, #tpu.memory_space<vmem>>)
      %add3A_500 = arith.addi %mul3A_2, %add3A_13 : i32
      %add3A_501 = arith.constant 3 : i32
      %add3A_502 = arith.addi %add3A_500, %add3A_501 : i32
      %dma_start3A_503 = arith.constant 3 : i32
      %dma_start3A_504 = arith.constant 0 : i32
      %dma_start3A_505 = arith.constant 0 : i32
      %dma_start3A_506 = tpu.memref_slice %arg7[%dma_start3A_503, %dma_start3A_504, %dma_start3A_505] : memref<4x200x64xf32, #tpu.memory_space<vmem>> -> memref<1x200x64xf32, #tpu.memory_space<vmem>>
      %dma_start3A_507 = tpu.memref_squeeze %dma_start3A_506 : memref<1x200x64xf32, #tpu.memory_space<vmem>> -> memref<200x64xf32, #tpu.memory_space<vmem>>
      %dma_start3A_508 = arith.constant 0 : i32
      %dma_start3A_509 = arith.constant 0 : i32
      %dma_start3A_510 = tpu.memref_slice %arg5[%add3A_502, %dma_start3A_508, %dma_start3A_509] : memref<1024x200x64xf32, #tpu.memory_space<hbm>> -> memref<1x200x64xf32, #tpu.memory_space<hbm>>
      %dma_start3A_511 = tpu.memref_squeeze %dma_start3A_510 : memref<1x200x64xf32, #tpu.memory_space<hbm>> -> memref<200x64xf32, #tpu.memory_space<hbm>>
      %dma_start3A_512 = arith.constant 0 : i32
      %dma_start3A_513 = arith.constant 0 : i32
      %dma_start3A_514 = tpu.memref_slice %arg5[%add3A_502, %dma_start3A_512, %dma_start3A_513] : memref<1024x200x64xf32, #tpu.memory_space<hbm>> -> memref<1x200x64xf32, #tpu.memory_space<hbm>>
      %dma_start3A_515 = tpu.memref_squeeze %dma_start3A_514 : memref<1x200x64xf32, #tpu.memory_space<hbm>> -> memref<200x64xf32, #tpu.memory_space<hbm>>
      %dma_start3A_516 = arith.constant 0 : i32
      %dma_start3A_517 = arith.constant 0 : i32
      %dma_start3A_518 = tpu.memref_slice %arg7[%dma_start3A_503, %dma_start3A_516, %dma_start3A_517] : memref<4x200x64xf32, #tpu.memory_space<vmem>> -> memref<1x200x64xf32, #tpu.memory_space<vmem>>
      %dma_start3A_519 = tpu.memref_squeeze %dma_start3A_518 : memref<1x200x64xf32, #tpu.memory_space<vmem>> -> memref<200x64xf32, #tpu.memory_space<vmem>>
      tpu.enqueue_dma source(%dma_start3A_519 : memref<200x64xf32, #tpu.memory_space<vmem>>) target(%dma_start3A_515 : memref<200x64xf32, #tpu.memory_space<hbm>>) target_semaphore(%arg24 : memref<!tpu.dma_semaphore, #tpu.memory_space<semaphore_mem>>)
      %dma_wait3A_520 = arith.constant 0 : i32
      %dma_wait3A_521 = arith.constant 0 : i32
      %dma_wait3A_522 = arith.constant 0 : i32
      %dma_wait3A_523 = tpu.memref_slice %arg7[%dma_wait3A_520, %dma_wait3A_521, %dma_wait3A_522] : memref<4x200x64xf32, #tpu.memory_space<vmem>> -> memref<1x200x64xf32, #tpu.memory_space<vmem>>
      %dma_wait3A_524 = tpu.memref_squeeze %dma_wait3A_523 : memref<1x200x64xf32, #tpu.memory_space<vmem>> -> memref<200x64xf32, #tpu.memory_space<vmem>>
      %dma_wait3A_525 = arith.constant 0 : i32
      %dma_wait3A_526 = arith.constant 0 : i32
      %dma_wait3A_527 = tpu.memref_slice %arg5[%add3A_364, %dma_wait3A_525, %dma_wait3A_526] : memref<1024x200x64xf32, #tpu.memory_space<hbm>> -> memref<1x200x64xf32, #tpu.memory_space<hbm>>
      %dma_wait3A_528 = tpu.memref_squeeze %dma_wait3A_527 : memref<1x200x64xf32, #tpu.memory_space<hbm>> -> memref<200x64xf32, #tpu.memory_space<hbm>>
      %dma_wait3A_529 = arith.constant 0 : i32
      %dma_wait3A_530 = arith.constant 0 : i32
      %dma_wait3A_531 = tpu.memref_slice %arg5[%add3A_364, %dma_wait3A_529, %dma_wait3A_530] : memref<1024x200x64xf32, #tpu.memory_space<hbm>> -> memref<1x200x64xf32, #tpu.memory_space<hbm>>
      %dma_wait3A_532 = tpu.memref_squeeze %dma_wait3A_531 : memref<1x200x64xf32, #tpu.memory_space<hbm>> -> memref<200x64xf32, #tpu.memory_space<hbm>>
      %dma_wait3A_533 = arith.constant 0 : i32
      %dma_wait3A_534 = arith.constant 0 : i32
      %dma_wait3A_535 = tpu.memref_slice %arg7[%dma_wait3A_520, %dma_wait3A_533, %dma_wait3A_534] : memref<4x200x64xf32, #tpu.memory_space<vmem>> -> memref<1x200x64xf32, #tpu.memory_space<vmem>>
      %dma_wait3A_536 = tpu.memref_squeeze %dma_wait3A_535 : memref<1x200x64xf32, #tpu.memory_space<vmem>> -> memref<200x64xf32, #tpu.memory_space<vmem>>
      tpu.wait_dma2 semaphore(%arg21 : memref<!tpu.dma_semaphore, #tpu.memory_space<semaphore_mem>>) src(%dma_wait3A_536 : memref<200x64xf32, #tpu.memory_space<vmem>>) dst(%dma_wait3A_532 : memref<200x64xf32, #tpu.memory_space<hbm>>)
      %dma_wait3A_537 = arith.constant 1 : i32
      %dma_wait3A_538 = arith.constant 0 : i32
      %dma_wait3A_539 = arith.constant 0 : i32
      %dma_wait3A_540 = tpu.memref_slice %arg7[%dma_wait3A_537, %dma_wait3A_538, %dma_wait3A_539] : memref<4x200x64xf32, #tpu.memory_space<vmem>> -> memref<1x200x64xf32, #tpu.memory_space<vmem>>
      %dma_wait3A_541 = tpu.memref_squeeze %dma_wait3A_540 : memref<1x200x64xf32, #tpu.memory_space<vmem>> -> memref<200x64xf32, #tpu.memory_space<vmem>>
      %dma_wait3A_542 = arith.constant 0 : i32
      %dma_wait3A_543 = arith.constant 0 : i32
      %dma_wait3A_544 = tpu.memref_slice %arg5[%add3A_410, %dma_wait3A_542, %dma_wait3A_543] : memref<1024x200x64xf32, #tpu.memory_space<hbm>> -> memref<1x200x64xf32, #tpu.memory_space<hbm>>
      %dma_wait3A_545 = tpu.memref_squeeze %dma_wait3A_544 : memref<1x200x64xf32, #tpu.memory_space<hbm>> -> memref<200x64xf32, #tpu.memory_space<hbm>>
      %dma_wait3A_546 = arith.constant 0 : i32
      %dma_wait3A_547 = arith.constant 0 : i32
      %dma_wait3A_548 = tpu.memref_slice %arg5[%add3A_410, %dma_wait3A_546, %dma_wait3A_547] : memref<1024x200x64xf32, #tpu.memory_space<hbm>> -> memref<1x200x64xf32, #tpu.memory_space<hbm>>
      %dma_wait3A_549 = tpu.memref_squeeze %dma_wait3A_548 : memref<1x200x64xf32, #tpu.memory_space<hbm>> -> memref<200x64xf32, #tpu.memory_space<hbm>>
      %dma_wait3A_550 = arith.constant 0 : i32
      %dma_wait3A_551 = arith.constant 0 : i32
      %dma_wait3A_552 = tpu.memref_slice %arg7[%dma_wait3A_537, %dma_wait3A_550, %dma_wait3A_551] : memref<4x200x64xf32, #tpu.memory_space<vmem>> -> memref<1x200x64xf32, #tpu.memory_space<vmem>>
      %dma_wait3A_553 = tpu.memref_squeeze %dma_wait3A_552 : memref<1x200x64xf32, #tpu.memory_space<vmem>> -> memref<200x64xf32, #tpu.memory_space<vmem>>
      tpu.wait_dma2 semaphore(%arg22 : memref<!tpu.dma_semaphore, #tpu.memory_space<semaphore_mem>>) src(%dma_wait3A_553 : memref<200x64xf32, #tpu.memory_space<vmem>>) dst(%dma_wait3A_549 : memref<200x64xf32, #tpu.memory_space<hbm>>)
      %dma_wait3A_554 = arith.constant 2 : i32
      %dma_wait3A_555 = arith.constant 0 : i32
      %dma_wait3A_556 = arith.constant 0 : i32
      %dma_wait3A_557 = tpu.memref_slice %arg7[%dma_wait3A_554, %dma_wait3A_555, %dma_wait3A_556] : memref<4x200x64xf32, #tpu.memory_space<vmem>> -> memref<1x200x64xf32, #tpu.memory_space<vmem>>
      %dma_wait3A_558 = tpu.memref_squeeze %dma_wait3A_557 : memref<1x200x64xf32, #tpu.memory_space<vmem>> -> memref<200x64xf32, #tpu.memory_space<vmem>>
      %dma_wait3A_559 = arith.constant 0 : i32
      %dma_wait3A_560 = arith.constant 0 : i32
      %dma_wait3A_561 = tpu.memref_slice %arg5[%add3A_456, %dma_wait3A_559, %dma_wait3A_560] : memref<1024x200x64xf32, #tpu.memory_space<hbm>> -> memref<1x200x64xf32, #tpu.memory_space<hbm>>
      %dma_wait3A_562 = tpu.memref_squeeze %dma_wait3A_561 : memref<1x200x64xf32, #tpu.memory_space<hbm>> -> memref<200x64xf32, #tpu.memory_space<hbm>>
      %dma_wait3A_563 = arith.constant 0 : i32
      %dma_wait3A_564 = arith.constant 0 : i32
      %dma_wait3A_565 = tpu.memref_slice %arg5[%add3A_456, %dma_wait3A_563, %dma_wait3A_564] : memref<1024x200x64xf32, #tpu.memory_space<hbm>> -> memref<1x200x64xf32, #tpu.memory_space<hbm>>
      %dma_wait3A_566 = tpu.memref_squeeze %dma_wait3A_565 : memref<1x200x64xf32, #tpu.memory_space<hbm>> -> memref<200x64xf32, #tpu.memory_space<hbm>>
      %dma_wait3A_567 = arith.constant 0 : i32
      %dma_wait3A_568 = arith.constant 0 : i32
      %dma_wait3A_569 = tpu.memref_slice %arg7[%dma_wait3A_554, %dma_wait3A_567, %dma_wait3A_568] : memref<4x200x64xf32, #tpu.memory_space<vmem>> -> memref<1x200x64xf32, #tpu.memory_space<vmem>>
      %dma_wait3A_570 = tpu.memref_squeeze %dma_wait3A_569 : memref<1x200x64xf32, #tpu.memory_space<vmem>> -> memref<200x64xf32, #tpu.memory_space<vmem>>
      tpu.wait_dma2 semaphore(%arg23 : memref<!tpu.dma_semaphore, #tpu.memory_space<semaphore_mem>>) src(%dma_wait3A_570 : memref<200x64xf32, #tpu.memory_space<vmem>>) dst(%dma_wait3A_566 : memref<200x64xf32, #tpu.memory_space<hbm>>)
      %dma_wait3A_571 = arith.constant 3 : i32
      %dma_wait3A_572 = arith.constant 0 : i32
      %dma_wait3A_573 = arith.constant 0 : i32
      %dma_wait3A_574 = tpu.memref_slice %arg7[%dma_wait3A_571, %dma_wait3A_572, %dma_wait3A_573] : memref<4x200x64xf32, #tpu.memory_space<vmem>> -> memref<1x200x64xf32, #tpu.memory_space<vmem>>
      %dma_wait3A_575 = tpu.memref_squeeze %dma_wait3A_574 : memref<1x200x64xf32, #tpu.memory_space<vmem>> -> memref<200x64xf32, #tpu.memory_space<vmem>>
      %dma_wait3A_576 = arith.constant 0 : i32
      %dma_wait3A_577 = arith.constant 0 : i32
      %dma_wait3A_578 = tpu.memref_slice %arg5[%add3A_502, %dma_wait3A_576, %dma_wait3A_577] : memref<1024x200x64xf32, #tpu.memory_space<hbm>> -> memref<1x200x64xf32, #tpu.memory_space<hbm>>
      %dma_wait3A_579 = tpu.memref_squeeze %dma_wait3A_578 : memref<1x200x64xf32, #tpu.memory_space<hbm>> -> memref<200x64xf32, #tpu.memory_space<hbm>>
      %dma_wait3A_580 = arith.constant 0 : i32
      %dma_wait3A_581 = arith.constant 0 : i32
      %dma_wait3A_582 = tpu.memref_slice %arg5[%add3A_502, %dma_wait3A_580, %dma_wait3A_581] : memref<1024x200x64xf32, #tpu.memory_space<hbm>> -> memref<1x200x64xf32, #tpu.memory_space<hbm>>
      %dma_wait3A_583 = tpu.memref_squeeze %dma_wait3A_582 : memref<1x200x64xf32, #tpu.memory_space<hbm>> -> memref<200x64xf32, #tpu.memory_space<hbm>>
      %dma_wait3A_584 = arith.constant 0 : i32
      %dma_wait3A_585 = arith.constant 0 : i32
      %dma_wait3A_586 = tpu.memref_slice %arg7[%dma_wait3A_571, %dma_wait3A_584, %dma_wait3A_585] : memref<4x200x64xf32, #tpu.memory_space<vmem>> -> memref<1x200x64xf32, #tpu.memory_space<vmem>>
      %dma_wait3A_587 = tpu.memref_squeeze %dma_wait3A_586 : memref<1x200x64xf32, #tpu.memory_space<vmem>> -> memref<200x64xf32, #tpu.memory_space<vmem>>
      tpu.wait_dma2 semaphore(%arg24 : memref<!tpu.dma_semaphore, #tpu.memory_space<semaphore_mem>>) src(%dma_wait3A_587 : memref<200x64xf32, #tpu.memory_space<vmem>>) dst(%dma_wait3A_583 : memref<200x64xf32, #tpu.memory_space<hbm>>)
    }
    %scan3A_8 = arith.constant 8 : i32
    return
  }
}

</mosaic_0001>

<sc_bundles>
// kernel: kernel.3.cloned.1.call-start
scs
__scs_entry_jumppad:
0x0: {  	(pc) =	sbr.rel $0x88, $3  }
0x1: {  	(tag) =	ssettag $0x0;
	lr =	simm.s32 $0x1  }
0x2: {  	[smem:$0x3F9E] =	sst lr;
	_ =	strace $0xD0000000  }
0x3: {  	_ = 	snop  }
0x4: {  	_ = 	snop  }
0x5: {  	_ = 	snop  }
0x6: {  	_ = 	snop  }
0x7: {  	_ = 	snop  }
__scs_overlays_trampoline_lowered:
0x8: {  	[smem:$0x3FAD] =	sst s0  }
0x9: {  	[smem:$0x3FAE] =	sst s1  }
0xa: {  	[smem:$0x3FAF] =	sst s2  }
0xb: {  	[smem:$0x3FB0] =	sst s3  }
0xc: {  	[smem:$0x3FB1] =	sst s4  }
0xd: {  	[smem:$0x3FB2] =	sst s5  }
0xe: {  	[smem:$0x3FB3] =	sst s6  }
0xf: {  	[smem:$0x3FB4] =	sst s7  }
0x10: {  	[smem:$0x3FB5] =	sst s8  }
0x11: {  	[smem:$0x3FB6] =	sst s9;
	s0 =	simm.s32 @!p0 $0x0  }
0x12: {  	s1 =	sld [smem:$0x3F9C];
	s0 =	simm.s32 @p0 $0x1  }
0x13: {  	[smem:$0x3FB7] =	sst s0;
	s0 =	simm.s32 @!p1 $0x0  }
0x14: {  	s2 =	sld [smem:$0x3F9B];
	s0 =	simm.s32 @p1 $0x1  }
0x15: {  	[smem:$0x3FB8] =	sst s0;
	s0 =	simm.s32 @!p2 $0x0  }
0x16: {  	s3 =	sld [smem:$0x3FDB];
	s0 =	simm.s32 @p2 $0x1  }
0x17: {  	s4 =	simm.s32 $0x1BF5;
	[smem:$0x3FBA] =	sst s0  }
0x18: {  	s0 =	sld [smem:$0x3F9D];
	_ =	swait.ge [sflag:s4], $0x0  }
0x19: {  	s7 =	sld [smem:$0x3F9E]  }
0x1a: {  	s8 =	sadd.s32 $0xFFFFE003, lr  }
0x1b: {  	s9 =	sadd.s32 $0xFFFFFEF7, lr;
	s5 =	simm.s32 $0xFFFFFFFF;
	p2 =	slt.u32 s8, $0xFFFFF086  }
0x1c: {  	p1 =	slt.u32 s9, $0xF7A;
	s5 =	simm.s32 @!p2 $0x0  }
0x1d: {  	s5 =	simm.s32 @p1 $0x1;
	p0 =	seq.s32 s7, s2  }
0x1e: {  	s7 =	smul.u32 @!p0 $0xF7A, s2;
	p2 =	seq.s32 @!p0 s5, $0x0  }
0x1f: {  	s9 =	smul.u32 $0xF7A, s1;
	s8 =	simm.s32 @!p0 $0x1BF5;
	p2 =	por !p2, p0  }
0x20: {  	[sflag:s8] =	ssyncset.s32 @!p0 $0xFFFFF086;
	s6 =	sadd.s32 @!p0 s3, s7;
	s7 =	simm.s32 @!p0 $0x108  }
0x21: {  	s3 =	sadd.s32 s3, s9;
	s6 =	sadd.s32 @!p0 $0x88, s6;
	s7 =	simm.s32 @p2 $0x1082  }
0x22: {  	[simem:s7], [sflag:s8] =	dma.local @!p0 [hbm:s6], $0xF7A  }
0x23: {  	s9 =	sor.u32 $0xD0000000, s2;
	s6 =	simm.s32 $0x108;
	_ =	swait.ge @!p0 [sflag:s8], $0x0  }
0x24: {  	s3 =	sadd.s32 $0x88, s3;
	s6 =	simm.s32 @!p1 $0x1082;
	[sflag:s4] =	ssyncset.s32 $0xFFFFF086  }
0x25: {  	[simem:s6], [sflag:s4] =	dma.local [hbm:s3], $0xF7A  }
0x26: {  	[smem:$0x3F9E] =	sst s1;
	(tag) =	ssettag s2;
	_ =	strace s9  }
0x27: {  	s1 =	sld [smem:$0x3FAE]  }
0x28: {  	s2 =	sld [smem:$0x3FAF]  }
0x29: {  	s4 =	sld [smem:$0x3FB1]  }
0x2a: {  	p0 =	seq.s32 s5, $0x0;
	s5 =	sld [smem:$0x3FB2]  }
0x2b: {  	s6 =	sld [smem:$0x3FB3]  }
0x2c: {  	s7 =	sld [smem:$0x3FB4]  }
0x2d: {  	s3 =	simm.s32 $0x108;
	s8 =	sld [smem:$0x3FB5]  }
0x2e: {  	s3 =	simm.s32 @!p0 $0x1082;
	s9 =	sld [smem:$0x3FB6]  }
0x2f: {  	lr =	sadd.s32 s0, s3;
	s0 =	sld [smem:$0x3FAD]  }
0x30: {  	s3 =	sld [smem:$0x3FB0]  }
0x31: {  	[smem:$0x3FB9] =	sst s10  }
0x32: {  	s10 =	sld [smem:$0x3FB7];
	_ =	sdelay $0x3  }
0x33: {  	p0 =	seq.s32 s10, $0x1;
	s10 =	sld [smem:$0x3FB9];
	_ =	sdelay $0x3  }
0x34: {  	[smem:$0x3FB9] =	sst s10  }
0x35: {  	s10 =	sld [smem:$0x3FB8];
	_ =	sdelay $0x3  }
0x36: {  	p1 =	seq.s32 s10, $0x1;
	s10 =	sld [smem:$0x3FB9];
	_ =	sdelay $0x3  }
0x37: {  	[smem:$0x3FB9] =	sst s10  }
0x38: {  	s10 =	sld [smem:$0x3FBA]  }
0x39: {  	_ = 	snop;
	(pc) =	sbr.ind lr, $3  }
0x3a: {  	_ = 	snop  }
0x3b: {  	_ = 	snop  }
0x3c: {  	p2 =	seq.s32 s10, $0x1;
	s10 =	sld [smem:$0x3FB9]  }
0x3d: {  	_ =	shalt  }
0x3e: {  	_ =	shalt  }
0x3f: {  	_ =	shalt  }
0x40: {  	_ =	shalt  }
0x41: {  	_ =	shalt  }
0x42: {  	_ =	shalt  }
0x43: {  	_ =	shalt  }
0x44: {  	_ =	shalt  }
0x45: {  	_ =	shalt  }
0x46: {  	_ =	shalt  }
0x47: {  	_ =	shalt  }
0x48: {  	_ =	shalt  }
0x49: {  	_ =	shalt  }
0x4a: {  	_ =	shalt  }
0x4b: {  	_ =	shalt  }
0x4c: {  	_ =	shalt  }
0x4d: {  	_ =	shalt  }
0x4e: {  	_ =	shalt  }
0x4f: {  	_ =	shalt  }
0x50: {  	_ =	shalt  }
0x51: {  	_ =	shalt  }
0x52: {  	_ =	shalt  }
0x53: {  	_ =	shalt  }
0x54: {  	_ =	shalt  }
0x55: {  	_ =	shalt  }
0x56: {  	_ =	shalt  }
0x57: {  	_ =	shalt  }
0x58: {  	_ =	shalt  }
0x59: {  	_ =	shalt  }
0x5a: {  	_ =	shalt  }
0x5b: {  	_ =	shalt  }
0x5c: {  	_ =	shalt  }
0x5d: {  	_ =	shalt  }
0x5e: {  	_ =	shalt  }
0x5f: {  	_ =	shalt  }
0x60: {  	_ =	shalt  }
0x61: {  	_ =	shalt  }
0x62: {  	_ =	shalt  }
0x63: {  	_ =	shalt  }
0x64: {  	_ =	shalt  }
0x65: {  	_ =	shalt  }
0x66: {  	_ =	shalt  }
0x67: {  	_ =	shalt  }
0x68: {  	_ =	shalt  }
0x69: {  	_ =	shalt  }
0x6a: {  	_ =	shalt  }
0x6b: {  	_ =	shalt  }
0x6c: {  	_ =	shalt  }
0x6d: {  	_ =	shalt  }
0x6e: {  	_ =	shalt  }
0x6f: {  	_ =	shalt  }
0x70: {  	_ =	shalt  }
0x71: {  	_ =	shalt  }
0x72: {  	_ =	shalt  }
0x73: {  	_ =	shalt  }
0x74: {  	_ =	shalt  }
0x75: {  	_ =	shalt  }
0x76: {  	_ =	shalt  }
0x77: {  	_ =	shalt  }
0x78: {  	_ =	shalt  }
0x79: {  	_ =	shalt  }
0x7a: {  	_ =	shalt  }
0x7b: {  	_ =	shalt  }
0x7c: {  	_ =	shalt  }
0x7d: {  	_ =	shalt  }
0x7e: {  	_ =	shalt  }
0x7f: {  	_ =	shalt  }
0x80: {  	_ =	shalt  }
0x81: {  	_ =	shalt  }
0x82: {  	_ =	shalt  }
0x83: {  	_ =	shalt  }
0x84: {  	_ =	shalt  }
0x85: {  	_ =	shalt  }
0x86: {  	_ =	shalt  }
0x87: {  	_ =	shalt  }
.Lfunc_end0:
.L_simem_size_0:
called_computation.1_lowered:
.L_overlay_start_0:
0x88: {  	s2 =	sld [smem:$0x3FD9]  }
0x89: {  	s3 =	sld [smem:$0x3FFE];
	_ =	sdelay $0x1  }
0x8a: {  	s1 =	srdreg.scid  }
0x8b: {  	s0 =	sand.u32 $0x1, s1  }
0x8c: {  	s17 =	sshll.u32 s0, $0xA;
	s2 =	sadd.s32 s3, s2  }
0x8d: {  	s2 =	sadd.s32 s2, s17  }
0x8e: {  	[smem:$0x3FC5] =	sst s2  }
0x8f: {  	_ = 	snop  }
0x90: {  	s2 =	sld [smem:$0x3FD0];
	(tm) =	ssettm $0x1  }
0x91: {  	s18 =	sld [smem:$0x3FFB];
	_ =	sdelay $0x3  }
0x92: {  	_ =	strace s18  }
0x93: {  	s3 =	sld [smem:$0x3FFC];
	_ =	sdelay $0x3  }
0x94: {  	_ =	strace s3  }
0x95: {  	s3 =	sld [smem:$0x3FFD];
	_ =	sdelay $0x3  }
0x96: {  	_ =	strace s3  }
0x97: {  	_ =	strace $0x8FFFFFFF  }
0x98: {  	s19 =	sld [smem:$0x3FDB];
	_ =	sdelay $0x1  }
0x99: {  	s4 =	simm.s32 $_scs_section_size  }
0x9a: {  	s5 =	simm.s32 $_size__tile_overlayer_lowered;
	s6 =	simm.s32 $_tile_overlayer_lowered  }
0x9b: {  	s22 =	simm.s32 $0x1BFF;
	s21 =	sshll.u32 s6, $0x1;
	s3 =	sadd.s32 s4, s19  }
0x9c: {  	s7 =	simm.s32 $0x0;
	s20 =	sshll.u32 s5, $0x1;
	s5 =	sadd.s32 s21, s3  }
0x9d: {  	[timem:s7], [sflag:s22] =	dma.local [hbm:s5], s20  }
0x9e: {  	_ =	swait.ge [sflag:s22], s20  }
0x9f: {  	s4 =	ssub.s32 $0x0, s20;
	[sflag:s22] =	ssyncset.done $0x0  }
0xa0: {  	[sflag:s22] =	ssyncadd.s32 s4;
	_ =	sdelay $0x1  }
0xa1: {  	s23 =	simm.s32 $0x1B8B  }
0xa2: {  	_ =	swait.ge [sflag:s23], $0x1  }
0xa3: {  	[sflag:s23] =	ssyncset.done $0x0  }
0xa4: {  	s25 =	simm.s32 $0x1B8E;
	s24 =	sld [smem:$0x3FFE];
	[sflag:s23] =	ssyncadd.s32 $0xFFFFFFFF  }
0xa5: {  	s26 =	simm.s32 $execute0_lowered;
	[smem:$0x3FD2] =	sst s25  }
0xa6: {  	s5 =	sshll.u32 s26, $0x1;
	_ =	strace $0x80000046;
	[dreg:$0x1] =	wrdreg $0xFFFFFFFF  }
0xa7: {  	s28 =	simm.s32 $_size_execute0_lowered;
	s3 =	sadd.s32 s3, s5;
	[dreg:$0x0] =	wrdreg $0x0  }
0xa8: {  	s5 =	sshll.u32 s28, $0x1;
	[dreg:$0x2] =	wrdreg s3  }
0xa9: {  	[dreg:$0x3] =	wrdreg s5  }
0xaa: {  	[dreg:$0x4] =	wrdreg $0xC0  }
0xab: {  	_ =	task [dreg:s7], $0x5FFFF  }
0xac: {  	[dreg:$0x1] =	wrdreg $0xFFFFFFFF  }
0xad: {  	[dreg:$0x0] =	wrdreg $0x60  }
0xae: {  	[dreg:$0x2] =	wrdreg s24  }
0xaf: {  	[dreg:$0x3] =	wrdreg s2  }
0xb0: {  	[dreg:$0x4] =	wrdreg $0xCB400  }
0xb1: {  	[dreg:$0x5] =	wrdreg $0x9  }
0xb2: {  	_ =	task.clear_ibuf [dreg:s7], $0x6FFFF;
	_ =	strace $0x90000046  }
0xb3: {  	s29 =	simm.s32 $0x9;
	_ =	strace $0x80000048  }
0xb4: {  	_ =	swait.ge [sflag:s29], $0x1  }
0xb5: {  	[sflag:s29] =	ssyncadd.s32 $0xFFFFFFFF  }
0xb6: {  	_ =	strace $0x90000048  }
0xb7: {  	_ =	sfence  }
0xb8: {  	s30 =	sld [smem:$0x0];
	_ =	sdelay $0x2  }
0xb9: {  	s31 =	sshll.u32 s1, $0xD;
	s1 =	sshrl.u32 s1, $0x2  }
0xba: {  	s3 =	sand.u32 $0x4000, s31;
	s1 =	sadd.s32 s1, s30  }
0xbb: {  	s0 =	sor.u32 s3, s0;
	s1 =	sshll.u32 s1, $0x11  }
0xbc: {  	s0 =	sor.u32 s1, s0  }
0xbd: {  	s0 =	sadd.s32 $0x8F2B, s0  }
0xbe: {  	[sflag:s0] =	ssyncadd.remote.s32 $0x1  }
0xbf: {  	_ =	sfence.sel $0xFFFF  }
0xc0: {  	[dreg:$0x0] =	wrdreg $0xFFFFFFFF;
	(pc) =	sbr.abs _section_cstart, $3  }
0xc1: {  	[dreg:$0x1] =	wrdreg $0xFFFFFFFF  }
0xc2: {  	_ =	task.clear_ibuf [dreg:s7], $0x2FFFF;
	_ =	strace $0x9FFFFFFF  }
0xc3: {  	(tm) =	ssettm $0x7FFFFFFF  }
tec
execute0_lowered:
.L_overlay_start_1:
0x0: {  	(tag) =	ssettag $0x1  }
0x1: {  	s0 =	rddreg [dreg:$0x0]  }
0x2: {  	s4 =	rddreg [dreg:$0x1]  }
0x3: {  	s1 =	rddreg [dreg:$0x2];
	s5 =	stileid.u32  }
0x4: {  	s2 =	simm.s32 $0x0;
	s6 =	srdreg.scid;
	s19 =	simm.s32 $0x68  }
0x5: {  	s20 =	simm.s32 $0x1C40;
	s21 =	simm.s32 $0x138;
	s16 =	simm.s32 $0x64  }
0x6: {  	s22 =	simm.s32 $0x4E40;
	s23 =	simm.s32 $0x208;
	s24 =	simm.s32 $0x8040  }
0x7: {  	s25 =	simm.s32 $0x2D8;
	s26 =	simm.s32 $0xB240;
	s28 =	simm.s32 $0xD  }
0x8: {  	s29 =	simm.s32 $0xE;
	s30 =	simm.s32 $0xF;
	[smem:$0x7FF] =	sst s2  }
0x9: {  	s31 =	simm.s32 $0x10;
	_ =	strace $0x80000047;
	[dreg:$0x5] =	wrdreg s19  }
0xa: {  	s13 =	simm.s32 $0x6740;
	s14 =	simm.s32 $0x270;
	[dreg:$0x6] =	wrdreg s20  }
0xb: {  	s15 =	simm.s32 $0x9940;
	s3 =	smul.u32 $0x680, s5;
	[dreg:$0x7] =	wrdreg s21  }
0xc: {  	s6 =	sand.u32 $0x1, s6;
	s7 =	smul.u32 $0x19000, s5;
	[dreg:$0x8] =	wrdreg s22  }
0xd: {  	p0 =	sne.s32 s5, $0x0;
	s9 =	smul.u32 $0xC800, s6;
	[dreg:$0x9] =	wrdreg s23  }
0xe: {  	s10 =	ssub.s32 $0x2, s6;
	s6 =	smul.u32 $0x340, s6;
	[dreg:$0xa] =	wrdreg s24  }
0xf: {  	s19 =	simm.s32 $0x3;
	s20 =	simm.s32 $0x7;
	[dreg:$0xb] =	wrdreg s25  }
0x10: {  	s21 =	simm.s32 $0x4;
	s22 =	simm.s32 $0x8;
	[dreg:$0xc] =	wrdreg s26  }
0x11: {  	s23 =	simm.s32 $0x9;
	s24 =	simm.s32 $0xA;
	s25 =	simm.s32 $0xB  }
0x12: {  	s26 =	simm.s32 $0xC;
	s8 =	sadd.s32 s3, s0;
	s3 =	sadd.s32 $0xF43000, s0  }
0x13: {  	s0 =	sadd.s32 $0x7400, s0;
	s17 =	sshrl.u32 s10, $0x1;
	s4 =	sadd.s32 s7, s4  }
0x14: {  	[dreg:$0xd] =	wrdreg s0;
	s0 =	ssub.s32 s10, s17;
	s4 =	sadd.s32 s9, s4  }
0x15: {  	s6 =	sadd.s32 s6, s8;
	s0 =	smax.u32 s0, $0x1;
	[dreg:$0x4] =	wrdreg s4  }
0x16: {  	s17 =	simm.s32 $0x2;
	s18 =	sadd.s32 $0xC4E, s6;
	[dreg:$0xe] =	wrdreg s0  }
0x17: {  	s4 =	simm.s32 $0x0;
	[dreg:$0xf] =	wrdreg s18;
	s18 =	simm.s32 $0x6  }
.LBB2_1:
0x18: {  	[dreg:$0x10] =	wrdreg s4  }
0x19: {  	s0 =	simm.s32 @!p0 $0x0;
	s4 =	simm.s32 @!p0 $0x340;
	s5 =	rddreg [dreg:$0xd]  }
0x1a: {  	[tilespmem:s4], [sflag:$0x11] =	stream.linear.gather @!p0 [hbm4b:s5+s0], $0x3200, $0x38;
	[tilespmem:$0xCE60] =	vst v63  }
0x1b: {  	s0 =	simm.s32 @!p0 $0x11  }
0x1c: {  	_ =	swait.ge @!p0 [sflag:s0], $0x3200  }
0x1d: {  	[sflag:s0] =	ssyncset.done @!p0 $0x0  }
0x1e: {  	[sflag:s0] =	ssyncadd.s32 @!p0 $0xFFFFCE00  }
0x1f: {  	[spmem:s1] =	stream.linear.scatter @!p0 [tilespmem:s4], [sflag:$0x11], $0x3200, $0x38;
	[tilespmem:$0xCE60] =	vst v63  }
0x20: {  	_ =	swait.ge @!p0 [sflag:s0], $0x3200  }
0x21: {  	[sflag:s0] =	ssyncset.done @!p0 $0x0  }
0x22: {  	[sflag:s0] =	ssyncadd.s32 @!p0 $0xFFFFCE00  }
0x23: {  	[bflag:$0x0] =	sbarrier.arrive $0xFFFF  }
0x24: {  	s5 =	rddreg [dreg:$0xf]  }
0x25: {  	s10 =	sadd.s32 $0xFFFFFFB2, s5  }
0x26: {  	[tilespmem:s2], [sflag:$0x1] =	stream.linear.gather [hbm4b:s10+s2], $0xD0, $0x38;
	[tilespmem:$0xCE60] =	vst v63  }
0x27: {  	s8 =	simm.s32 $0x340  }
0x28: {  	[tilespmem:s8], [sflag:$0x5] =	stream.linear.gather [spmem:s1], $0x3200, $0x38;
	[tilespmem:$0xCE60] =	vst v63  }
0x29: {  	s6 =	simm.s32 $0xD0;
	s11 =	sadd.s32 $0xFFFFFFCC, s5  }
0x2a: {  	[tilespmem:s6], [sflag:$0x2] =	stream.linear.gather [hbm4b:s11+s2], $0xD0, $0x38;
	[tilespmem:$0xCE60] =	vst v63  }
0x2b: {  	s9 =	simm.s32 $0x3540  }
0x2c: {  	[tilespmem:s9], [sflag:$0x6] =	stream.linear.gather [spmem:s1], $0x3200, $0x38;
	[tilespmem:$0xCE60] =	vst v63  }
0x2d: {  	s7 =	simm.s32 $0x1A0;
	s12 =	sadd.s32 $0xFFFFFFE6, s5  }
0x2e: {  	[tilespmem:s7], [sflag:$0x3] =	stream.linear.gather [hbm4b:s12+s2], $0xD0, $0x38;
	[tilespmem:$0xCE60] =	vst v63  }
0x2f: {  	s10 =	simm.s32 $0x6740  }
0x30: {  	[tilespmem:s10], [sflag:$0x7] =	stream.linear.gather [spmem:s1], $0x3200, $0x38;
	[tilespmem:$0xCE60] =	vst v63  }
0x31: {  	s11 =	simm.s32 $0x270  }
0x32: {  	[tilespmem:s11], [sflag:$0x4] =	stream.linear.gather [hbm4b:s5+s2], $0xD0, $0x38;
	[tilespmem:$0xCE60] =	vst v63  }
0x33: {  	s4 =	simm.s32 $0x1;
	s12 =	simm.s32 $0x9940  }
0x34: {  	[tilespmem:s12], [sflag:$0x8] =	stream.linear.gather [spmem:s1], $0x3200, $0x38;
	[tilespmem:$0xCE60] =	vst v63  }
0x35: {  	_ =	swait.ge [sflag:s4], $0xD0  }
0x36: {  	[sflag:s4] =	ssyncset.done $0x0  }
0x37: {  	[sflag:s4] =	ssyncadd.s32 $0xFFFFFF30;
	s4 =	simm.s32 $0x5  }
0x38: {  	_ =	swait.ge [sflag:s4], $0x3200  }
0x39: {  	[sflag:s4] =	ssyncset.done $0x0  }
0x3a: {  	s0 =	rddreg [dreg:$0x6];
	[sflag:s4] =	ssyncadd.s32 $0xFFFFCE00  }
0x3b: {  	[tilespmem:s8], [sflag:$0x9] =	stream.indirect.gather.add.f32 [hbm:s3], $0x40, s2, s16, $0xb8;
	[tilespmem:$0xCE60] =	vst v63  }
0x3c: {  	s4 =	rddreg [dreg:$0x5]  }
0x3d: {  	[tilespmem:s0], [sflag:$0x9] =	stream.indirect.gather.add.f32 [hbm:s3], $0x40, s4, s16, $0xb8;
	[tilespmem:$0xCE60] =	vst v63  }
0x3e: {  	_ =	swait.ge [sflag:s17], $0xD0  }
0x3f: {  	[sflag:s17] =	ssyncset.done $0x0  }
0x40: {  	[sflag:s17] =	ssyncadd.s32 $0xFFFFFF30  }
0x41: {  	_ =	swait.ge [sflag:s18], $0x3200  }
0x42: {  	[sflag:s18] =	ssyncset.done $0x0  }
0x43: {  	s0 =	rddreg [dreg:$0x8];
	[sflag:s18] =	ssyncadd.s32 $0xFFFFCE00  }
0x44: {  	[tilespmem:s9], [sflag:$0xA] =	stream.indirect.gather.add.f32 [hbm:s3], $0x40, s6, s16, $0xb8;
	[tilespmem:$0xCE60] =	vst v63  }
0x45: {  	s4 =	rddreg [dreg:$0x7]  }
0x46: {  	[tilespmem:s0], [sflag:$0xA] =	stream.indirect.gather.add.f32 [hbm:s3], $0x40, s4, s16, $0xb8;
	[tilespmem:$0xCE60] =	vst v63  }
0x47: {  	_ =	swait.ge [sflag:s19], $0xD0  }
0x48: {  	[sflag:s19] =	ssyncset.done $0x0  }
0x49: {  	[sflag:s19] =	ssyncadd.s32 $0xFFFFFF30  }
0x4a: {  	_ =	swait.ge [sflag:s20], $0x3200  }
0x4b: {  	[sflag:s20] =	ssyncset.done $0x0  }
0x4c: {  	s4 =	rddreg [dreg:$0xa];
	[sflag:s20] =	ssyncadd.s32 $0xFFFFCE00  }
0x4d: {  	[tilespmem:s10], [sflag:$0xB] =	stream.indirect.gather.add.f32 [hbm:s3], $0x40, s7, s16, $0xb8;
	[tilespmem:$0xCE60] =	vst v63  }
0x4e: {  	s6 =	rddreg [dreg:$0x9]  }
0x4f: {  	[tilespmem:s4], [sflag:$0xB] =	stream.indirect.gather.add.f32 [hbm:s3], $0x40, s6, s16, $0xb8;
	[tilespmem:$0xCE60] =	vst v63  }
0x50: {  	_ =	swait.ge [sflag:s21], $0xD0  }
0x51: {  	[sflag:s21] =	ssyncset.done $0x0  }
0x52: {  	[sflag:s21] =	ssyncadd.s32 $0xFFFFFF30  }
0x53: {  	_ =	swait.ge [sflag:s22], $0x3200  }
0x54: {  	[sflag:s22] =	ssyncset.done $0x0  }
0x55: {  	s4 =	rddreg [dreg:$0xc];
	[sflag:s22] =	ssyncadd.s32 $0xFFFFCE00  }
0x56: {  	[tilespmem:s12], [sflag:$0xC] =	stream.indirect.gather.add.f32 [hbm:s3], $0x40, s11, s16, $0xb8;
	[tilespmem:$0xCE60] =	vst v63  }
0x57: {  	s6 =	rddreg [dreg:$0xb]  }
0x58: {  	[tilespmem:s4], [sflag:$0xC] =	stream.indirect.gather.add.f32 [hbm:s3], $0x40, s6, s16, $0xb8;
	[tilespmem:$0xCE60] =	vst v63  }
0x59: {  	_ =	swait.ge [sflag:s23], $0x1900  }
0x5a: {  	[sflag:s23] =	ssyncset.done $0x0  }
0x5b: {  	[sflag:s23] =	ssyncadd.s32 $0xFFFFE700  }
0x5c: {  	_ =	swait.ge [sflag:s23], $0x1900  }
0x5d: {  	s7 =	rddreg [dreg:$0x4];
	[sflag:s23] =	ssyncset.done $0x0  }
0x5e: {  	[sflag:s23] =	ssyncadd.s32 $0xFFFFE700;
	s0 =	sadd.s32 $0x0, s7  }
0x5f: {  	[hbm4b:s0+s2] =	stream.linear.scatter [tilespmem:s8], [sflag:$0xD], $0x3200, $0x38;
	[tilespmem:$0xCE60] =	vst v63  }
0x60: {  	_ =	swait.ge [sflag:s24], $0x1900  }
0x61: {  	[sflag:s24] =	ssyncset.done $0x0  }
0x62: {  	[sflag:s24] =	ssyncadd.s32 $0xFFFFE700  }
0x63: {  	_ =	swait.ge [sflag:s24], $0x1900  }
0x64: {  	[sflag:s24] =	ssyncset.done $0x0  }
0x65: {  	s8 =	sadd.s32 $0x640, s0;
	[sflag:s24] =	ssyncadd.s32 $0xFFFFE700  }
0x66: {  	[hbm4b:s8+s2] =	stream.linear.scatter [tilespmem:s9], [sflag:$0xE], $0x3200, $0x38;
	[tilespmem:$0xCE60] =	vst v63  }
0x67: {  	_ =	swait.ge [sflag:s25], $0x1900  }
0x68: {  	[sflag:s25] =	ssyncset.done $0x0  }
0x69: {  	[sflag:s25] =	ssyncadd.s32 $0xFFFFE700  }
0x6a: {  	_ =	swait.ge [sflag:s25], $0x1900  }
0x6b: {  	[sflag:s25] =	ssyncset.done $0x0  }
0x6c: {  	s11 =	sadd.s32 $0xC80, s0;
	[sflag:s25] =	ssyncadd.s32 $0xFFFFE700  }
0x6d: {  	[hbm4b:s11+s2] =	stream.linear.scatter [tilespmem:s10], [sflag:$0xF], $0x3200, $0x38;
	[tilespmem:$0xCE60] =	vst v63  }
0x6e: {  	_ =	swait.ge [sflag:s26], $0x1900  }
0x6f: {  	[sflag:s26] =	ssyncset.done $0x0  }
0x70: {  	[sflag:s26] =	ssyncadd.s32 $0xFFFFE700  }
0x71: {  	_ =	swait.ge [sflag:s26], $0x1900  }
0x72: {  	[sflag:s26] =	ssyncset.done $0x0  }
0x73: {  	s0 =	sadd.s32 $0x12C0, s0;
	[sflag:s26] =	ssyncadd.s32 $0xFFFFE700  }
0x74: {  	[hbm4b:s0+s2] =	stream.linear.scatter [tilespmem:s12], [sflag:$0x10], $0x3200, $0x38;
	[tilespmem:$0xCE60] =	vst v63  }
0x75: {  	_ =	swait.ge [sflag:s28], $0x3200  }
0x76: {  	[sflag:s28] =	ssyncset.done $0x0  }
0x77: {  	[sflag:s28] =	ssyncadd.s32 $0xFFFFCE00  }
0x78: {  	_ =	swait.ge [sflag:s29], $0x3200  }
0x79: {  	[sflag:s29] =	ssyncset.done $0x0  }
0x7a: {  	[sflag:s29] =	ssyncadd.s32 $0xFFFFCE00  }
0x7b: {  	_ =	swait.ge [sflag:s30], $0x3200  }
0x7c: {  	[sflag:s30] =	ssyncset.done $0x0  }
0x7d: {  	[sflag:s30] =	ssyncadd.s32 $0xFFFFCE00  }
0x7e: {  	s5 =	sadd.s32 $0x68, s5;
	_ =	swait.ge [sflag:s31], $0x3200  }
0x7f: {  	s4 =	simm.s32 $0x1900;
	s6 =	simm.s32 $0x3200;
	[sflag:s31] =	ssyncset.done $0x0  }
.LBB2_2:
0x80: {  	s0 =	sadd.s32 $0xFFFFFFB2, s5;
	[sflag:s31] =	ssyncadd.s32 $0xFFFFCE00  }
0x81: {  	[tilespmem:s2], [sflag:$0x1] =	stream.linear.gather [hbm4b:s0+s2], $0xD0, $0x38;
	[tilespmem:$0xCE60] =	vst v63  }
0x82: {  	s9 =	simm.s32 $0x340  }
0x83: {  	[tilespmem:s9], [sflag:$0x5] =	stream.linear.gather [spmem:s1], $0x3200, $0x38;
	[tilespmem:$0xCE60] =	vst v63  }
0x84: {  	s8 =	sadd.s32 $0xFFFFFFCC, s5;
	s12 =	simm.s32 $0xD0  }
0x85: {  	[tilespmem:s12], [sflag:$0x2] =	stream.linear.gather [hbm4b:s8+s2], $0xD0, $0x38;
	[tilespmem:$0xCE60] =	vst v63  }
0x86: {  	s11 =	simm.s32 $0x3540  }
0x87: {  	[tilespmem:s11], [sflag:$0x6] =	stream.linear.gather [spmem:s1], $0x3200, $0x38;
	[tilespmem:$0xCE60] =	vst v63  }
0x88: {  	s10 =	sadd.s32 $0xFFFFFFE6, s5;
	s7 =	simm.s32 $0x1A0  }
0x89: {  	[tilespmem:s7], [sflag:$0x3] =	stream.linear.gather [hbm4b:s10+s2], $0xD0, $0x38;
	[tilespmem:$0xCE60] =	vst v63  }
0x8a: {  	_ = 	snop  }
0x8b: {  	[tilespmem:s13], [sflag:$0x7] =	stream.linear.gather [spmem:s1], $0x3200, $0x38;
	[tilespmem:$0xCE60] =	vst v63  }
0x8c: {  	_ = 	snop  }
0x8d: {  	[tilespmem:s14], [sflag:$0x4] =	stream.linear.gather [hbm4b:s5+s2], $0xD0, $0x38;
	[tilespmem:$0xCE60] =	vst v63  }
0x8e: {  	s10 =	simm.s32 $0x1  }
0x8f: {  	[tilespmem:s15], [sflag:$0x8] =	stream.linear.gather [spmem:s1], $0x3200, $0x38;
	[tilespmem:$0xCE60] =	vst v63  }
0x90: {  	_ =	swait.ge [sflag:s10], $0xD0  }
0x91: {  	[sflag:s10] =	ssyncset.done $0x0  }
0x92: {  	[sflag:s10] =	ssyncadd.s32 $0xFFFFFF30;
	s10 =	simm.s32 $0x5  }
0x93: {  	_ =	swait.ge [sflag:s10], $0x3200  }
0x94: {  	[sflag:s10] =	ssyncset.done $0x0  }
0x95: {  	s8 =	rddreg [dreg:$0x6];
	[sflag:s10] =	ssyncadd.s32 $0xFFFFCE00  }
0x96: {  	[tilespmem:s9], [sflag:$0x9] =	stream.indirect.gather.add.f32 [hbm:s3], $0x40, s2, s16, $0xb8;
	[tilespmem:$0xCE60] =	vst v63  }
0x97: {  	s10 =	rddreg [dreg:$0x5]  }
0x98: {  	[tilespmem:s8], [sflag:$0x9] =	stream.indirect.gather.add.f32 [hbm:s3], $0x40, s10, s16, $0xb8;
	[tilespmem:$0xCE60] =	vst v63  }
0x99: {  	_ =	swait.ge [sflag:s17], $0xD0  }
0x9a: {  	[sflag:s17] =	ssyncset.done $0x0  }
0x9b: {  	[sflag:s17] =	ssyncadd.s32 $0xFFFFFF30  }
0x9c: {  	_ =	swait.ge [sflag:s18], $0x3200  }
0x9d: {  	[sflag:s18] =	ssyncset.done $0x0  }
0x9e: {  	s8 =	rddreg [dreg:$0x8];
	[sflag:s18] =	ssyncadd.s32 $0xFFFFCE00  }
0x9f: {  	[tilespmem:s11], [sflag:$0xA] =	stream.indirect.gather.add.f32 [hbm:s3], $0x40, s12, s16, $0xb8;
	[tilespmem:$0xCE60] =	vst v63  }
0xa0: {  	s10 =	rddreg [dreg:$0x7]  }
0xa1: {  	[tilespmem:s8], [sflag:$0xA] =	stream.indirect.gather.add.f32 [hbm:s3], $0x40, s10, s16, $0xb8;
	[tilespmem:$0xCE60] =	vst v63  }
0xa2: {  	_ =	swait.ge [sflag:s19], $0xD0  }
0xa3: {  	[sflag:s19] =	ssyncset.done $0x0  }
0xa4: {  	[sflag:s19] =	ssyncadd.s32 $0xFFFFFF30  }
0xa5: {  	_ =	swait.ge [sflag:s20], $0x3200  }
0xa6: {  	[sflag:s20] =	ssyncset.done $0x0  }
0xa7: {  	s10 =	rddreg [dreg:$0xa];
	[sflag:s20] =	ssyncadd.s32 $0xFFFFCE00  }
0xa8: {  	[tilespmem:s13], [sflag:$0xB] =	stream.indirect.gather.add.f32 [hbm:s3], $0x40, s7, s16, $0xb8;
	[tilespmem:$0xCE60] =	vst v63  }
0xa9: {  	s12 =	rddreg [dreg:$0x9]  }
0xaa: {  	[tilespmem:s10], [sflag:$0xB] =	stream.indirect.gather.add.f32 [hbm:s3], $0x40, s12, s16, $0xb8;
	[tilespmem:$0xCE60] =	vst v63  }
0xab: {  	_ =	swait.ge [sflag:s21], $0xD0  }
0xac: {  	[sflag:s21] =	ssyncset.done $0x0  }
0xad: {  	[sflag:s21] =	ssyncadd.s32 $0xFFFFFF30  }
0xae: {  	_ =	swait.ge [sflag:s22], $0x3200  }
0xaf: {  	[sflag:s22] =	ssyncset.done $0x0  }
0xb0: {  	s10 =	rddreg [dreg:$0xc];
	[sflag:s22] =	ssyncadd.s32 $0xFFFFCE00  }
0xb1: {  	[tilespmem:s15], [sflag:$0xC] =	stream.indirect.gather.add.f32 [hbm:s3], $0x40, s14, s16, $0xb8;
	[tilespmem:$0xCE60] =	vst v63  }
0xb2: {  	s12 =	rddreg [dreg:$0xb]  }
0xb3: {  	[tilespmem:s10], [sflag:$0xC] =	stream.indirect.gather.add.f32 [hbm:s3], $0x40, s12, s16, $0xb8;
	[tilespmem:$0xCE60] =	vst v63  }
0xb4: {  	_ =	swait.ge [sflag:s23], $0x1900  }
0xb5: {  	[sflag:s23] =	ssyncset.done $0x0  }
0xb6: {  	[sflag:s23] =	ssyncadd.s32 $0xFFFFE700  }
0xb7: {  	_ =	swait.ge [sflag:s23], $0x1900  }
0xb8: {  	s7 =	rddreg [dreg:$0x4];
	[sflag:s23] =	ssyncset.done $0x0  }
0xb9: {  	[sflag:s23] =	ssyncadd.s32 $0xFFFFE700;
	s8 =	sadd.s32 s4, s7  }
0xba: {  	[hbm4b:s8+s2] =	stream.linear.scatter [tilespmem:s9], [sflag:$0xD], $0x3200, $0x38;
	[tilespmem:$0xCE60] =	vst v63  }
0xbb: {  	_ =	swait.ge [sflag:s24], $0x1900  }
0xbc: {  	[sflag:s24] =	ssyncset.done $0x0  }
0xbd: {  	[sflag:s24] =	ssyncadd.s32 $0xFFFFE700  }
0xbe: {  	_ =	swait.ge [sflag:s24], $0x1900  }
0xbf: {  	[sflag:s24] =	ssyncset.done $0x0  }
0xc0: {  	s10 =	sadd.s32 $0x640, s8;
	[sflag:s24] =	ssyncadd.s32 $0xFFFFE700  }
0xc1: {  	[hbm4b:s10+s2] =	stream.linear.scatter [tilespmem:s11], [sflag:$0xE], $0x3200, $0x38;
	[tilespmem:$0xCE60] =	vst v63  }
0xc2: {  	_ =	swait.ge [sflag:s25], $0x1900  }
0xc3: {  	[sflag:s25] =	ssyncset.done $0x0  }
0xc4: {  	[sflag:s25] =	ssyncadd.s32 $0xFFFFE700  }
0xc5: {  	_ =	swait.ge [sflag:s25], $0x1900  }
0xc6: {  	[sflag:s25] =	ssyncset.done $0x0  }
0xc7: {  	s11 =	sadd.s32 $0xC80, s8;
	[sflag:s25] =	ssyncadd.s32 $0xFFFFE700  }
0xc8: {  	[hbm4b:s11+s2] =	stream.linear.scatter [tilespmem:s13], [sflag:$0xF], $0x3200, $0x38;
	[tilespmem:$0xCE60] =	vst v63  }
0xc9: {  	_ =	swait.ge [sflag:s26], $0x1900  }
0xca: {  	[sflag:s26] =	ssyncset.done $0x0  }
0xcb: {  	[sflag:s26] =	ssyncadd.s32 $0xFFFFE700  }
0xcc: {  	_ =	swait.ge [sflag:s26], $0x1900  }
0xcd: {  	[sflag:s26] =	ssyncset.done $0x0  }
0xce: {  	s12 =	sadd.s32 $0x12C0, s8;
	[sflag:s26] =	ssyncadd.s32 $0xFFFFE700  }
0xcf: {  	[hbm4b:s12+s2] =	stream.linear.scatter [tilespmem:s15], [sflag:$0x10], $0x3200, $0x38;
	[tilespmem:$0xCE60] =	vst v63  }
0xd0: {  	_ =	swait.ge [sflag:s28], $0x3200  }
0xd1: {  	[sflag:s28] =	ssyncset.done $0x0  }
0xd2: {  	[sflag:s28] =	ssyncadd.s32 $0xFFFFCE00  }
0xd3: {  	_ =	swait.ge [sflag:s29], $0x3200  }
0xd4: {  	[sflag:s29] =	ssyncset.done $0x0  }
0xd5: {  	p1 =	sne.s32 s6, $0xAF00;
	[sflag:s29] =	ssyncadd.s32 $0xFFFFCE00  }
.Ltmp0:
0xd6: {  	_ =	swait.ge [sflag:s30], $0x3200;
	(pc) =	sbr.rel @p1 .LBB2_2-.Ltmp0, $4  }
0xd7: {  	[sflag:s30] =	ssyncset.done $0x0  }
0xd8: {  	[sflag:s30] =	ssyncadd.s32 $0xFFFFCE00  }
0xd9: {  	s0 =	smov.u32 s6;
	s6 =	sadd.s32 $0x1900, s6;
	_ =	swait.ge [sflag:s31], $0x3200  }
0xda: {  	s5 =	sadd.s32 $0x68, s5;
	s4 =	smov.u32 s0;
	[sflag:s31] =	ssyncset.done $0x0  }
0xdb: {  	s0 =	sadd.s32 $0xFFFFFFB2, s5;
	[sflag:s31] =	ssyncadd.s32 $0xFFFFCE00  }
0xdc: {  	[tilespmem:s2], [sflag:$0x1] =	stream.linear.gather [hbm4b:s0+s2], $0xD0, $0x38;
	[tilespmem:$0xCE60] =	vst v63  }
0xdd: {  	s8 =	simm.s32 $0x340  }
0xde: {  	[tilespmem:s8], [sflag:$0x5] =	stream.linear.gather [spmem:s1], $0x3200, $0x38;
	[tilespmem:$0xCE60] =	vst v63  }
0xdf: {  	s11 =	sadd.s32 $0xFFFFFFCC, s5;
	s6 =	simm.s32 $0xD0  }
0xe0: {  	[tilespmem:s6], [sflag:$0x2] =	stream.linear.gather [hbm4b:s11+s2], $0xD0, $0x38;
	[tilespmem:$0xCE60] =	vst v63  }
0xe1: {  	s9 =	simm.s32 $0x3540  }
0xe2: {  	[tilespmem:s9], [sflag:$0x6] =	stream.linear.gather [spmem:s1], $0x3200, $0x38;
	[tilespmem:$0xCE60] =	vst v63  }
0xe3: {  	s12 =	sadd.s32 $0xFFFFFFE6, s5;
	s7 =	simm.s32 $0x1A0  }
0xe4: {  	[tilespmem:s7], [sflag:$0x3] =	stream.linear.gather [hbm4b:s12+s2], $0xD0, $0x38;
	[tilespmem:$0xCE60] =	vst v63  }
0xe5: {  	s10 =	simm.s32 $0x6740  }
0xe6: {  	[tilespmem:s10], [sflag:$0x7] =	stream.linear.gather [spmem:s1], $0x3200, $0x38;
	[tilespmem:$0xCE60] =	vst v63  }
0xe7: {  	s11 =	simm.s32 $0x270  }
0xe8: {  	[tilespmem:s11], [sflag:$0x4] =	stream.linear.gather [hbm4b:s5+s2], $0xD0, $0x38;
	[tilespmem:$0xCE60] =	vst v63  }
0xe9: {  	s12 =	simm.s32 $0x9940;
	s5 =	simm.s32 $0x1  }
0xea: {  	[tilespmem:s12], [sflag:$0x8] =	stream.linear.gather [spmem:s1], $0x3200, $0x38;
	[tilespmem:$0xCE60] =	vst v63  }
0xeb: {  	_ =	swait.ge [sflag:s5], $0xD0  }
0xec: {  	[sflag:s5] =	ssyncset.done $0x0  }
0xed: {  	[sflag:s5] =	ssyncadd.s32 $0xFFFFFF30;
	s5 =	simm.s32 $0x5  }
0xee: {  	_ =	swait.ge [sflag:s5], $0x3200  }
0xef: {  	[sflag:s5] =	ssyncset.done $0x0  }
0xf0: {  	s0 =	rddreg [dreg:$0x6];
	[sflag:s5] =	ssyncadd.s32 $0xFFFFCE00  }
0xf1: {  	[tilespmem:s8], [sflag:$0x9] =	stream.indirect.gather.add.f32 [hbm:s3], $0x40, s2, s16, $0xb8;
	[tilespmem:$0xCE60] =	vst v63  }
0xf2: {  	s5 =	rddreg [dreg:$0x5]  }
0xf3: {  	[tilespmem:s0], [sflag:$0x9] =	stream.indirect.gather.add.f32 [hbm:s3], $0x40, s5, s16, $0xb8;
	[tilespmem:$0xCE60] =	vst v63  }
0xf4: {  	_ =	swait.ge [sflag:s17], $0xD0  }
0xf5: {  	[sflag:s17] =	ssyncset.done $0x0  }
0xf6: {  	[sflag:s17] =	ssyncadd.s32 $0xFFFFFF30  }
0xf7: {  	_ =	swait.ge [sflag:s18], $0x3200  }
0xf8: {  	[sflag:s18] =	ssyncset.done $0x0  }
0xf9: {  	s0 =	rddreg [dreg:$0x8];
	[sflag:s18] =	ssyncadd.s32 $0xFFFFCE00  }
0xfa: {  	[tilespmem:s9], [sflag:$0xA] =	stream.indirect.gather.add.f32 [hbm:s3], $0x40, s6, s16, $0xb8;
	[tilespmem:$0xCE60] =	vst v63  }
0xfb: {  	s5 =	rddreg [dreg:$0x7]  }
0xfc: {  	[tilespmem:s0], [sflag:$0xA] =	stream.indirect.gather.add.f32 [hbm:s3], $0x40, s5, s16, $0xb8;
	[tilespmem:$0xCE60] =	vst v63  }
0xfd: {  	_ =	swait.ge [sflag:s19], $0xD0  }
0xfe: {  	[sflag:s19] =	ssyncset.done $0x0  }
0xff: {  	[sflag:s19] =	ssyncadd.s32 $0xFFFFFF30  }
0x100: {  	_ =	swait.ge [sflag:s20], $0x3200  }
0x101: {  	[sflag:s20] =	ssyncset.done $0x0  }
0x102: {  	s5 =	rddreg [dreg:$0xa];
	[sflag:s20] =	ssyncadd.s32 $0xFFFFCE00  }
0x103: {  	[tilespmem:s10], [sflag:$0xB] =	stream.indirect.gather.add.f32 [hbm:s3], $0x40, s7, s16, $0xb8;
	[tilespmem:$0xCE60] =	vst v63  }
0x104: {  	s6 =	rddreg [dreg:$0x9]  }
0x105: {  	[tilespmem:s5], [sflag:$0xB] =	stream.indirect.gather.add.f32 [hbm:s3], $0x40, s6, s16, $0xb8;
	[tilespmem:$0xCE60] =	vst v63  }
0x106: {  	_ =	swait.ge [sflag:s21], $0xD0  }
0x107: {  	[sflag:s21] =	ssyncset.done $0x0  }
0x108: {  	[sflag:s21] =	ssyncadd.s32 $0xFFFFFF30  }
0x109: {  	_ =	swait.ge [sflag:s22], $0x3200  }
0x10a: {  	[sflag:s22] =	ssyncset.done $0x0  }
0x10b: {  	s5 =	rddreg [dreg:$0xc];
	[sflag:s22] =	ssyncadd.s32 $0xFFFFCE00  }
0x10c: {  	[tilespmem:s12], [sflag:$0xC] =	stream.indirect.gather.add.f32 [hbm:s3], $0x40, s11, s16, $0xb8;
	[tilespmem:$0xCE60] =	vst v63  }
0x10d: {  	s6 =	rddreg [dreg:$0xb]  }
0x10e: {  	[tilespmem:s5], [sflag:$0xC] =	stream.indirect.gather.add.f32 [hbm:s3], $0x40, s6, s16, $0xb8;
	[tilespmem:$0xCE60] =	vst v63  }
0x10f: {  	_ =	swait.ge [sflag:s23], $0x1900  }
0x110: {  	[sflag:s23] =	ssyncset.done $0x0  }
0x111: {  	[sflag:s23] =	ssyncadd.s32 $0xFFFFE700  }
0x112: {  	_ =	swait.ge [sflag:s23], $0x1900  }
0x113: {  	s7 =	rddreg [dreg:$0x4];
	[sflag:s23] =	ssyncset.done $0x0  }
0x114: {  	[sflag:s23] =	ssyncadd.s32 $0xFFFFE700;
	s0 =	sadd.s32 s4, s7  }
0x115: {  	[hbm4b:s0+s2] =	stream.linear.scatter [tilespmem:s8], [sflag:$0xD], $0x3200, $0x38;
	[tilespmem:$0xCE60] =	vst v63  }
0x116: {  	_ =	swait.ge [sflag:s24], $0x1900  }
0x117: {  	[sflag:s24] =	ssyncset.done $0x0  }
0x118: {  	[sflag:s24] =	ssyncadd.s32 $0xFFFFE700  }
0x119: {  	_ =	swait.ge [sflag:s24], $0x1900  }
0x11a: {  	[sflag:s24] =	ssyncset.done $0x0  }
0x11b: {  	s4 =	sadd.s32 $0x640, s0;
	[sflag:s24] =	ssyncadd.s32 $0xFFFFE700  }
0x11c: {  	[hbm4b:s4+s2] =	stream.linear.scatter [tilespmem:s9], [sflag:$0xE], $0x3200, $0x38;
	[tilespmem:$0xCE60] =	vst v63  }
0x11d: {  	_ =	swait.ge [sflag:s25], $0x1900  }
0x11e: {  	[sflag:s25] =	ssyncset.done $0x0  }
0x11f: {  	[sflag:s25] =	ssyncadd.s32 $0xFFFFE700  }
0x120: {  	_ =	swait.ge [sflag:s25], $0x1900  }
0x121: {  	[sflag:s25] =	ssyncset.done $0x0  }
0x122: {  	s9 =	sadd.s32 $0xC80, s0;
	[sflag:s25] =	ssyncadd.s32 $0xFFFFE700  }
0x123: {  	[hbm4b:s9+s2] =	stream.linear.scatter [tilespmem:s10], [sflag:$0xF], $0x3200, $0x38;
	[tilespmem:$0xCE60] =	vst v63  }
0x124: {  	_ =	swait.ge [sflag:s26], $0x1900  }
0x125: {  	[sflag:s26] =	ssyncset.done $0x0  }
0x126: {  	[sflag:s26] =	ssyncadd.s32 $0xFFFFE700  }
0x127: {  	_ =	swait.ge [sflag:s26], $0x1900  }
0x128: {  	[sflag:s26] =	ssyncset.done $0x0  }
0x129: {  	s0 =	sadd.s32 $0x12C0, s0;
	[sflag:s26] =	ssyncadd.s32 $0xFFFFE700  }
0x12a: {  	[hbm4b:s0+s2] =	stream.linear.scatter [tilespmem:s12], [sflag:$0x10], $0x3200, $0x38;
	[tilespmem:$0xCE60] =	vst v63  }
0x12b: {  	_ =	swait.ge [sflag:s28], $0x3200  }
0x12c: {  	[sflag:s28] =	ssyncset.done $0x0  }
0x12d: {  	[sflag:s28] =	ssyncadd.s32 $0xFFFFCE00  }
0x12e: {  	_ =	swait.ge [sflag:s29], $0x3200  }
0x12f: {  	[sflag:s29] =	ssyncset.done $0x0  }
0x130: {  	[sflag:s29] =	ssyncadd.s32 $0xFFFFCE00  }
0x131: {  	_ =	swait.ge [sflag:s30], $0x3200  }
0x132: {  	[sflag:s30] =	ssyncset.done $0x0  }
0x133: {  	[sflag:s30] =	ssyncadd.s32 $0xFFFFCE00  }
0x134: {  	_ =	swait.ge [sflag:s31], $0x3200  }
0x135: {  	s11 =	rddreg [dreg:$0x10]  }
0x136: {  	s12 =	rddreg [dreg:$0xe];
	s4 =	sadd.s32 $0x1, s11  }
0x137: {  	p1 =	sne.s32 s4, s12  }
.Ltmp1:
0x138: {  	_ = 	snop;
	(pc) =	sbr.rel @p1 .LBB2_1-.Ltmp1, $3  }
0x139: {  	_ =	sdelay $0x1  }
0x13a: {  	[sflag:s31] =	ssyncset.done $0x0  }
0x13b: {  	[sflag:s31] =	ssyncadd.s32 $0xFFFFCE00  }
0x13c: {  	_ =	sfence.sel $0x180000  }
0x13d: {  	[bflag:$0x0] =	sbarrier.arrive $0xFFFF  }
0x13e: {  	_ =	strace $0x90000047  }
0x13f: {  	[bflag:$0x2] =	sbarrier.arrive $0xFFFF  }
0x140: {  	s0 =	rddreg [dreg:$0x3]  }
0x141: {  	s0 =	sadd.s32 @!p0 $0x100000, s0  }
0x142: {  	[sflag:s0] =	ssyncadd.tile.s32 @!p0 $0x1;
	_ =	shalt  }
.Lfunc_end2:
_tile_overlayer_lowered:
.L_overlay_start_2:
0x143: {  	(tag) =	ssettag $0x2  }
0x144: {  	s0 =	rddreg [dreg:$0x0];
	s2 =	stileid.u32  }
0x145: {  	s1 =	rddreg [dreg:$0x1];
	p0 =	sne.s32 s2, $0x0  }
0x146: {  	s3 =	rddreg [dreg:$0x2];
	[bflag:$0x3] =	sbarrier.arrive $0xFFFF;
	s2 =	simm.s32 @!p0 $0x1C11  }
0x147: {  	[timem:s3], [sflag:s2] =	dma.local @!p0 [hbm:s0], s1  }
0x148: {  	s0 =	simm.s32 @!p0 $0x11  }
0x149: {  	_ =	swait.ge @!p0 [sflag:s0], s1  }
0x14a: {  	s1 =	ssub.s32 @!p0 $0x0, s1;
	[sflag:s0] =	ssyncset.done @!p0 $0x0  }
0x14b: {  	[sflag:s0] =	ssyncadd.s32 @!p0 s1  }
0x14c: {  	[bflag:$0x3] =	sbarrier.arrive $0xFFFF  }
0x14d: {  	_ =	shalt  }

// kernel: sparse-core-data-format-call.cloned.1.call-start
scs
called_computation_lowered:
.L_overlay_start_0:
0x0: {  	s2 =	sld [smem:$0x3FD9]  }
0x1: {  	s3 =	sld [smem:$0x3FFE];
	_ =	sdelay $0x1  }
0x2: {  	s1 =	srdreg.scid  }
0x3: {  	s0 =	sand.u32 $0x1, s1  }
0x4: {  	s18 =	sshll.u32 s0, $0xA;
	s2 =	sadd.s32 s3, s2  }
0x5: {  	s2 =	sadd.s32 s2, s18  }
0x6: {  	[smem:$0x3FC5] =	sst s2  }
0x7: {  	_ = 	snop  }
0x8: {  	s2 =	sld [smem:$0x3FD0];
	(tm) =	ssettm $0x1  }
0x9: {  	s19 =	sld [smem:$0x3FFB];
	_ =	sdelay $0x3  }
0xa: {  	_ =	strace s19  }
0xb: {  	s3 =	sld [smem:$0x3FFC];
	_ =	sdelay $0x3  }
0xc: {  	_ =	strace s3  }
0xd: {  	s3 =	sld [smem:$0x3FFD];
	_ =	sdelay $0x3  }
0xe: {  	_ =	strace s3  }
0xf: {  	_ =	strace $0x8FFFFFFF  }
0x10: {  	s20 =	sld [smem:$0x3FDB];
	_ =	sdelay $0x1  }
0x11: {  	s4 =	simm.s32 $_scs_section_size  }
0x12: {  	s5 =	simm.s32 $_size__tile_overlayer_lowered;
	s6 =	simm.s32 $_tile_overlayer_lowered  }
0x13: {  	s23 =	simm.s32 $0x1BFF;
	s22 =	sshll.u32 s6, $0x1;
	s3 =	sadd.s32 s4, s20  }
0x14: {  	s7 =	simm.s32 $0x0;
	s21 =	sshll.u32 s5, $0x1;
	s5 =	sadd.s32 s22, s3  }
0x15: {  	[timem:s7], [sflag:s23] =	dma.local [hbm:s5], s21  }
0x16: {  	_ =	swait.ge [sflag:s23], s21  }
0x17: {  	s4 =	ssub.s32 $0x0, s21;
	[sflag:s23] =	ssyncset.done $0x0  }
0x18: {  	[sflag:s23] =	ssyncadd.s32 s4;
	_ =	sdelay $0x1  }
0x19: {  	s24 =	simm.s32 $0x1B8B  }
0x1a: {  	_ =	swait.ge [sflag:s24], $0x1  }
0x1b: {  	[sflag:s24] =	ssyncset.done $0x0  }
0x1c: {  	s26 =	simm.s32 $0x1B8E;
	s25 =	sld [smem:$0x3FFE];
	[sflag:s24] =	ssyncadd.s32 $0xFFFFFFFF  }
0x1d: {  	s27 =	simm.s32 $execute0_lowered;
	[smem:$0x3FD2] =	sst s26  }
0x1e: {  	s5 =	sshll.u32 s27, $0x1;
	_ =	strace $0x80000049;
	[dreg:$0x1] =	wrdreg $0xFFFFFFFF  }
0x1f: {  	s28 =	simm.s32 $_size_execute0_lowered;
	s3 =	sadd.s32 s3, s5;
	[dreg:$0x0] =	wrdreg $0x0  }
0x20: {  	s5 =	sshll.u32 s28, $0x1;
	[dreg:$0x2] =	wrdreg s3  }
0x21: {  	[dreg:$0x3] =	wrdreg s5  }
0x22: {  	[dreg:$0x4] =	wrdreg $0xC0  }
0x23: {  	_ =	task [dreg:s7], $0x5FFFF  }
0x24: {  	[dreg:$0x1] =	wrdreg $0xFFFFFFFF  }
0x25: {  	[dreg:$0x0] =	wrdreg $0x60  }
0x26: {  	[dreg:$0x2] =	wrdreg s25  }
0x27: {  	[dreg:$0x3] =	wrdreg s2  }
0x28: {  	[dreg:$0x4] =	wrdreg $0x9  }
0x29: {  	_ =	task.clear_ibuf [dreg:s7], $0x5FFFF;
	_ =	strace $0x90000049  }
0x2a: {  	s29 =	simm.s32 $0x9;
	_ =	strace $0x8000004B  }
0x2b: {  	_ =	swait.ge [sflag:s29], $0x1  }
0x2c: {  	[sflag:s29] =	ssyncadd.s32 $0xFFFFFFFF  }
0x2d: {  	_ =	strace $0x9000004B  }
0x2e: {  	_ =	sfence  }
0x2f: {  	s30 =	sld [smem:$0x0];
	_ =	sdelay $0x2  }
0x30: {  	s31 =	sshll.u32 s1, $0xD;
	s1 =	sshrl.u32 s1, $0x2  }
0x31: {  	s3 =	sand.u32 $0x4000, s31;
	s1 =	sadd.s32 s1, s30  }
0x32: {  	s0 =	sor.u32 s3, s0;
	s1 =	sshll.u32 s1, $0x11  }
0x33: {  	s0 =	sor.u32 s1, s0  }
0x34: {  	s0 =	sadd.s32 $0x8F2B, s0  }
0x35: {  	[sflag:s0] =	ssyncadd.remote.s32 $0x1  }
0x36: {  	_ =	sfence.sel $0xFFFF  }
0x37: {  	[dreg:$0x0] =	wrdreg $0xFFFFFFFF;
	(pc) =	sbr.abs _section_cstart, $3  }
0x38: {  	[dreg:$0x1] =	wrdreg $0xFFFFFFFF  }
0x39: {  	_ =	task.clear_ibuf [dreg:s7], $0x2FFFF;
	_ =	strace $0x9FFFFFFF  }
0x3a: {  	(tm) =	ssettm $0x7FFFFFFF  }
0x3b: {  	_ =	shalt  }
tec
execute0_lowered:
.L_overlay_start_1:
0x0: {  	(tag) =	ssettag $0x1  }
0x1: {  	s0 =	stileid.u32;
	s6 =	rddreg [dreg:$0x0]  }
0x2: {  	s2 =	rddreg [dreg:$0x1];
	s5 =	srdreg.scid  }
0x3: {  	s31 =	simm.s32 $0x2;
	s13 =	simm.s32 $0x0;
	s1 =	sshll.u32 s0, $0x7  }
0x4: {  	s14 =	simm.s32 $0x0;
	s12 =	simm.s32 $0x0;
	s3 =	sand.u32 $0x380, s1  }
0x5: {  	s5 =	sshll.u32 s5, $0x4;
	s6 =	sadd.s32 $0xC00, s6;
	s4 =	ssub.s32 $0x400, s3  }
0x6: {  	s1 =	rddreg [dreg:$0x2];
	_ =	strace $0x8000004A;
	s7 =	sand.u32 $0x380, s4  }
0x7: {  	s5 =	sand.u32 $0x10, s5;
	p0 =	sne.s32 s7, $0x0;
	s7 =	simm.s32 $0x1  }
.Ltmp0:
0x8: {  	s8 =	sshrl.u32 s4, $0xA;
	s7 =	simm.s32 @!p0 $0x0;
	(pc) =	sbr.rel .LBB1_1-.Ltmp0, $4  }
0x9: {  	s9 =	sor.u32 s0, s5;
	s4 =	simm.s32 $0x1;
	s30 =	sadd.s32 s7, s8  }
0xa: {  	s11 =	smov.u32 s3;
	[sflag:s4] =	ssyncpa.u1 $0x0;
	s5 =	smul.u32 $0x32, s30  }
0xb: {  	[sflag:s31] =	ssyncpa.u1 $0x0;
	p0 =	por $0x0, $0x0;
	s7 =	sshrl.u32 s9, $0x3  }
0xc: {  	s9 =	simm.s32 $0x2000;
	s10 =	smov.u32 s7;
	s8 =	sor.u32 $0x1, s5  }
.LBB1_4:
0xd: {  	s17 =	sand.u32 $0x1F80, s14;
	s13 =	sshll.u32 s13, $0xD  }
0xe: {  	[tilespmem:s16+$0x810 ss:$0x81] =	vst.msk $0xffff, v2;
	s18 =	sshrl.u32 s14, $0x3;
	s31 =	sand.u32 $0x7, s14;
	s17 =	sadd.s32 s2, s17  }
0xf: {  	[tilespmem:s16+$0x1020 ss:$0x81] =	vst.msk $0xffff, v0;
	s18 =	sand.u32 $0xF, s18;
	s14 =	sshll.u32 s31, $0x12;
	s13 =	sadd.s32 s13, s17  }
0x10: {  	[tilespmem:s16+$0x0 ss:$0x81] =	vst.msk $0xffff, v1;
	s14 =	sor.u32 $0x400, s14;
	s13 =	sadd.s32 s18, s13  }
0x11: {  	[hbm4b:s13+s14] =	stream.strided.scatter [tilespmem:s15], [sflag:$0x2], $0x2000, s9, s14, $0x20;
	[tilespmem:$0x8080] =	vst v63  }
.LBB1_5:
0x12: {  	s15 =	sadd.s32 $0x4, s10  }
0x13: {  	s13 =	sadd.s32 $0x400, s11;
	s17 =	smov.u32 s11;
	p2 =	sgt.s32 s15, $0xC7  }
0x14: {  	s17 =	smov.u32 @p2 s13  }
0x15: {  	s15 =	smov.u32 @p2 s7;
	p2 =	sgt.s32 s17, $0x3FF  }
0x16: {  	s17 =	smov.u32 @p2 s3;
	p2 =	sne.s32 s12, s8  }
.Ltmp1:
0x17: {  	p1 =	slt.u32 s12, $0x2;
	(pc) =	sbr.rel @!p2 .LBB1_6-.Ltmp1, $4  }
0x18: {  	s16 =	simm.s32 @!p1 $0x2  }
0x19: {  	s14 =	smov.u32 s11;
	p0 =	por !p0, !p0;
	_ =	swait.ge @!p1 [sflag:s16], $0x2000  }
0x1a: {  	s13 =	smov.u32 s10;
	[sflag:s16] =	ssyncset.done @!p1 $0x0;
	s10 =	smov.u32 s15  }
0x1b: {  	s12 =	sadd.s32 $0x1, s12;
	[sflag:s16] =	ssyncadd.s32 @!p1 $0xFFFFE000;
	s11 =	smov.u32 s17  }
.LBB1_1:
0x1c: {  	p1 =	sge.u32 s12, s5  }
0x1d: {  	s15 =	sand.u32 @!p1 $0x1FFFFFF, s10  }
0x1e: {  	s16 =	smulhi.u32 @!p1 $0x147AE15, s15;
	_ =	sdelay $0x1  }
0x1f: {  	s16 =	smul.u32 @!p1 $0xC8, s16  }
0x20: {  	s17 =	sxor.u32 @!p1 $0xFFFFFFFF, s12;
	s18 =	smul.u32 @!p1 $0xC80, s11  }
0x21: {  	s31 =	sadd.s32 $0xFFFFFFFF, s12;
	s17 =	sshll.u32 @!p1 s17, $0xD;
	s15 =	ssub.s32 @!p1 s15, s16  }
0x22: {  	s16 =	sand.u32 @!p1 $0x2000, s17;
	s17 =	sadd.s32 @!p1 s6, s18;
	s15 =	sshll.u32 @!p1 s15, $0x4  }
0x23: {  	s18 =	simm.s32 @!p1 $0x6400;
	s15 =	sadd.s32 @!p1 s15, s17;
	s17 =	simm.s32 @!p1 $0x40  }
0x24: {  	[tilespmem:s16], [sflag:$0x1] =	stream.strided.gather @!p1 [hbm4b:s15+s17], $0x2000, s18, s17, $0x38;
	[tilespmem:$0x8080] =	vst v63  }
0x25: {  	p1 =	sge.u32 s31, s5  }
.Ltmp2:
0x26: {  	_ = 	snop;
	(pc) =	sbr.rel @p1 .LBB1_5-.Ltmp2, $1  }
0x27: {  	_ =	sdelay $0x3  }
0x28: {  	s15 =	simm.s32 $0x1  }
0x29: {  	_ =	swait.ge [sflag:s4], $0x2000;
	s15 =	simm.s32 @!p0 $0x0  }
0x2a: {  	[sflag:s4] =	ssyncset.done $0x0;
	s16 =	sshll.u32 s15, $0xD  }
0x2b: {  	[sflag:s4] =	ssyncadd.s32 $0xFFFFE000;
	s19 =	sor.u32 $0x20, s16  }
0x2c: {  	s15 =	smul.u32 $0x8100, s15;
	v3 =	vld [tilespmem:s19+$0x10]  }
0x2d: {  	s30 =	sand.u32 $0x1, s12;
	v2 =	vld [tilespmem:s19+$0xFFFFFFF0]  }
0x2e: {  	s16 =	smul.u32 $0x8100, s30;
	s15 =	sshrl.u32 s15, $0x2;
	v0 =	vld [tilespmem:s19+$0x0]  }
0x2f: {  	v1 =	vld [tilespmem:s19+$0xFFFFFFE0];
	s17 =	sor.u32 $0x4000, s15  }
0x30: {  	s31 =	sshrl.u32 s16, $0x2;
	s16 =	sadd.s32 $0x0, s17  }
0x31: {  	s18 =	simm.s32 $0x4;
	s19 =	sadd.s32 $0x40, s19;
	s15 =	sor.u32 $0x4000, s31;
	[tilespmem:s16+$0x1830 ss:$0x81] =	vst.msk $0xffff, v3  }
.LBB1_3:
0x32: {  	v3 =	vld [tilespmem:s19+$0x10];
	p1 =	sne.s32 s18, $0x1FC;
	[tilespmem:s16+$0x810 ss:$0x81] =	vst.msk $0xffff, v2;
	s20 =	smov.u32 s18;
	s18 =	sadd.s32 $0x4, s18  }
.Ltmp3:
0x33: {  	v2 =	vld [tilespmem:s19+$0xFFFFFFF0];
	[tilespmem:s16+$0x1020 ss:$0x81] =	vst.msk $0xffff, v0;
	(pc) =	sbr.rel @p1 .LBB1_3-.Ltmp3, $4  }
0x34: {  	v0 =	vld [tilespmem:s19+$0x0];
	[tilespmem:s16+$0x0 ss:$0x81] =	vst.msk $0xffff, v1  }
0x35: {  	s16 =	sshra.s32 s20, $0x2;
	v1 =	vld [tilespmem:s19+$0xFFFFFFE0]  }
0x36: {  	s16 =	sadd.s32 s16, s17  }
0x37: {  	s19 =	sadd.s32 $0x40, s19;
	[tilespmem:s16+$0x1830 ss:$0x81] =	vst.msk $0xffff, v3  }
.Ltmp4:
0x38: {  	_ = 	snop;
	(pc) =	sbr.rel .LBB1_4-.Ltmp4, $1  }
0x39: {  	_ =	sdelay $0x3  }
.LBB1_6:
0x3a: {  	_ =	sfence.sel $0x180000  }
0x3b: {  	s2 =	simm.s32 $0x1;
	[bflag:$0x0] =	sbarrier.arrive $0xFFFF  }
0x3c: {  	s31 =	simm.s32 $0x2;
	[sflag:s2] =	ssyncpa.u1 $0x1  }
0x3d: {  	[sflag:s31] =	ssyncpa.u1 $0x1  }
0x3e: {  	p0 =	sne.s32 s0, $0x0;
	_ =	strace $0x9000004A  }
0x3f: {  	s0 =	sadd.s32 @!p0 $0x100000, s1;
	[bflag:$0x2] =	sbarrier.arrive $0xFFFF  }
0x40: {  	[sflag:s0] =	ssyncadd.tile.s32 @!p0 $0x1;
	_ =	shalt  }
.Lfunc_end1:
_tile_overlayer_lowered:
.L_overlay_start_2:
0x41: {  	(tag) =	ssettag $0x2  }
0x42: {  	s0 =	rddreg [dreg:$0x0];
	s2 =	stileid.u32  }
0x43: {  	s1 =	rddreg [dreg:$0x1];
	p0 =	sne.s32 s2, $0x0  }
0x44: {  	s3 =	rddreg [dreg:$0x2];
	[bflag:$0x3] =	sbarrier.arrive $0xFFFF;
	s2 =	simm.s32 @!p0 $0x1C01  }
0x45: {  	[timem:s3], [sflag:s2] =	dma.local @!p0 [hbm:s0], s1  }
0x46: {  	s0 =	simm.s32 @!p0 $0x1  }
0x47: {  	_ =	swait.ge @!p0 [sflag:s0], s1  }
0x48: {  	s1 =	ssub.s32 @!p0 $0x0, s1;
	[sflag:s0] =	ssyncset.done @!p0 $0x0  }
0x49: {  	[sflag:s0] =	ssyncadd.s32 @!p0 s1  }
0x4a: {  	[bflag:$0x3] =	sbarrier.arrive $0xFFFF  }
0x4b: {  	_ =	shalt  }

</sc_bundles>
